<compile_context>
chip_gen: v7x
topology: tpu7x:2x2x1
jax: 0.10.2.dev20260603
libtpu: 0.0.44.dev20260713+nightly
codegen_flags: <defaults>
</compile_context>

<pallas_src>
import jax
import jax.numpy as jnp
from jax import lax
from jax.experimental import pallas as pl
from jax.experimental.pallas import tpu as pltpu
from jax.experimental.pallas import tpu_sc as plsc

N_NODES = 10000
N_EDGES = 320000
F = 128
CHUNK = 128
NCHUNKS = N_EDGES // CHUNK
NW = 32
CHUNKS_PER_W = (NCHUNKS + NW - 1) // NW
N_PAD = 10240
ROWS_PER_TEC = N_PAD // 16


def _spmm_body(src_hbm, dst_hbm, table_hbm, out_hbm,
               srcbuf, dstbuf, rowsbuf, zbuf, acc, sem):
    c = lax.axis_index("c")
    s = lax.axis_index("s")
    wid = c * 16 + s

    z16 = jnp.zeros((16,), jnp.float32)

    def zrow(i, carry):
        for j in range(8):
            zbuf[i, pl.ds(j * 16, 16)] = z16
        return carry

    lax.fori_loop(0, 128, zrow, 0)
    r0 = s * ROWS_PER_TEC
    for t in range(ROWS_PER_TEC // 128):
        pltpu.sync_copy(zbuf.at[...], acc.at[pl.ds(r0 + t * 128, 128)])
    plsc.subcore_barrier()

    def body(j, carry):
        cid = j * NW + wid

        @pl.when(cid < NCHUNKS)
        def _():
            off = cid * CHUNK
            pltpu.sync_copy(src_hbm.at[pl.ds(off, CHUNK)], srcbuf.at[0])
            pltpu.sync_copy(dst_hbm.at[pl.ds(off, CHUNK)], dstbuf.at[0])
            pltpu.async_copy(table_hbm.at[srcbuf.at[0]], rowsbuf, sem).wait()
            pltpu.sync_copy(rowsbuf, acc.at[dstbuf.at[0]], add=True)

        return carry

    lax.fori_loop(0, CHUNKS_PER_W, body, 0)

    plsc.subcore_barrier()
    pltpu.sync_copy(acc.at[pl.ds(r0, ROWS_PER_TEC)],
                    out_hbm.at[c, pl.ds(r0, ROWS_PER_TEC)])


import functools


@functools.cache
def _make_spmm():
    return pl.kernel(
        _spmm_body,
        out_type=jax.ShapeDtypeStruct((2, N_PAD, F), jnp.float32),
        mesh=plsc.VectorSubcoreMesh(core_axis_name="c", subcore_axis_name="s"),
        scratch_types=[
            pltpu.VMEM((1, CHUNK), jnp.int32),
            pltpu.VMEM((1, CHUNK), jnp.int32),
            pltpu.VMEM((CHUNK, F), jnp.float32),
            pltpu.VMEM((128, F), jnp.float32),
            pltpu.VMEM_SHARED((N_PAD, F), jnp.float32),
            pltpu.SemaphoreType.DMA,
        ],
    )


def _spmm(src, dst, table):
    return _make_spmm()(src, dst, table)


R = 1000


def _mlp1_body(p_ref, W1_ref, b1_ref, W2_ref, out_ref):
    h = p_ref[0] + p_ref[1]
    h1 = jnp.dot(h, W1_ref[...], preferred_element_type=jnp.float32)
    h1 = jnp.maximum(h1 + b1_ref[...], 0.0)
    out_ref[...] = jnp.dot(h1, W2_ref[...], preferred_element_type=jnp.float32)


def _mlp1(p, W1, b1, W2):
    return pl.pallas_call(
        _mlp1_body,
        grid=(N_NODES // R,),
        in_specs=[
            pl.BlockSpec((2, R, F), lambda i: (0, i, 0)),
            pl.BlockSpec((F, 256), lambda i: (0, 0)),
            pl.BlockSpec((1, 256), lambda i: (0, 0)),
            pl.BlockSpec((256, F), lambda i: (0, 0)),
        ],
        out_specs=pl.BlockSpec((R, F), lambda i: (i, 0)),
        out_shape=jax.ShapeDtypeStruct((N_NODES, F), jnp.float32),
    )(p, W1, b1.reshape(1, 256), W2)


def _mlp2_body(p_ref, b2_ref, W3_ref, out_ref):
    h = jnp.maximum(p_ref[0] + p_ref[1] + b2_ref[...], 0.0)
    out_ref[...] = jnp.dot(h, W3_ref[...], preferred_element_type=jnp.float32)


def _mlp2(p, b2, W3):
    return pl.pallas_call(
        _mlp2_body,
        grid=(N_NODES // R,),
        in_specs=[
            pl.BlockSpec((2, R, F), lambda i: (0, i, 0)),
            pl.BlockSpec((1, F), lambda i: (0, 0)),
            pl.BlockSpec((F, F), lambda i: (0, 0)),
        ],
        out_specs=pl.BlockSpec((R, F), lambda i: (i, 0)),
        out_shape=jax.ShapeDtypeStruct((N_NODES, F), jnp.float32),
    )(p, b2.reshape(1, F), W3)


def _bias_body(p_ref, b3_ref, out_ref):
    out_ref[...] = p_ref[0] + p_ref[1] + b3_ref[...]


def _bias(p, b3):
    return pl.pallas_call(
        _bias_body,
        grid=(N_NODES // R,),
        in_specs=[
            pl.BlockSpec((2, R, F), lambda i: (0, i, 0)),
            pl.BlockSpec((1, F), lambda i: (0, 0)),
        ],
        out_specs=pl.BlockSpec((R, F), lambda i: (i, 0)),
        out_shape=jax.ShapeDtypeStruct((N_NODES, F), jnp.float32),
    )(p, b3.reshape(1, F))


def kernel(x, adj, W1, b1, W2, b2, W3, b3):
    src = adj[0]
    dst = adj[1]
    aggx = _spmm(src, dst, x)
    s2 = _mlp1(aggx, W1, b1, W2)
    agg2 = _spmm(src, dst, s2)
    s3 = _mlp2(agg2, b2, W3)
    agg3 = _spmm(src, dst, s3)
    return _bias(agg3, b3)

# --- scband reference (transcript-rebuilt; emitter-appended) ---
"""Pipeline reference for scband-gcn-vanilla-3-layers-31593779430027 (READ-ONLY COPY).

The authoritative reference and input builder live on the scoring server;
editing this copy changes nothing except your own understanding.
"""

import jax, jax.numpy as jnp
import numpy as np

N_NODES = 10000
N_EDGES = 320000
NFEAT = 128
NHID = 128
H1 = 256
H2 = 128


def setup_inputs(seed: int = 0) -> dict:
    key = jax.random.key(seed)
    ks = jax.random.split(key, 9)
    x = jax.random.normal(ks[0], (N_NODES, NFEAT), dtype=jnp.float32)
    adj = jax.random.randint(ks[1], (2, N_EDGES), 0, N_NODES, dtype=jnp.int32)
    W1 = jax.random.normal(ks[2], (NFEAT, H1), dtype=jnp.float32) * (1.0 / np.sqrt(NFEAT))
    b1 = jnp.zeros((H1,), dtype=jnp.float32)
    W2 = jax.random.normal(ks[3], (H1, H2), dtype=jnp.float32) * (1.0 / np.sqrt(H1))
    b2 = jnp.zeros((H2,), dtype=jnp.float32)
    W3 = jax.random.normal(ks[4], (H2, NHID), dtype=jnp.float32) * (1.0 / np.sqrt(H2))
    b3 = jnp.zeros((NHID,), dtype=jnp.float32)
    return {"x": x, "adj": adj, "W1": W1, "b1": b1, "W2": W2, "b2": b2, "W3": W3, "b3": b3}


def _gcn_layer(h, edge_index, W, b):
    # GraphConvolution (Kipf): support = h @ W; out = spmm(adj, support) + b
    # sparse adj represented as edge_index[2, E]: row 0 = src, row 1 = dst
    support = h @ W
    msg = jnp.take(support, edge_index[0], axis=0)
    agg = jax.ops.segment_sum(msg, edge_index[1], num_segments=h.shape[0])
    return agg + b


def reference(x, adj, W1, b1, W2, b2, W3, b3):
    # dropout is identity in eval mode
    h = jax.nn.relu(_gcn_layer(x, adj, W1, b1))
    h = jax.nn.relu(_gcn_layer(h, adj, W2, b2))
    emb = _gcn_layer(h, adj, W3, b3)
    return emb

if __name__ == "__main__":
    import jax
    _d = setup_inputs()
    print(jax.jit(kernel)(*tuple(_d.values())))

</pallas_src>

<mosaic_0001>
#map = affine_map<(d0, d1) -> (0)>
#map1 = affine_map<(d0, d1) -> (0, 0)>
#map2 = affine_map<(d0, d1) -> (0, 0, 0)>
module attributes {stable_mosaic.version = 14 : i64} {
  func.func @_spmm_body(%arg0: i32, %arg1: i32, %arg2: memref<320000xi32, #tpu.memory_space<hbm>>, %arg3: memref<320000xi32, #tpu.memory_space<hbm>>, %arg4: memref<10000x128xf32, #tpu.memory_space<hbm>>, %arg5: memref<2x10240x128xf32, #tpu.memory_space<hbm>>, %arg6: memref<1x128xi32, #tpu.memory_space<vmem>>, %arg7: memref<1x128xi32, #tpu.memory_space<vmem>>, %arg8: memref<128x128xf32, #tpu.memory_space<vmem>>, %arg9: memref<128x128xf32, #tpu.memory_space<vmem>>, %arg10: memref<10240x128xf32, #tpu.memory_space<vmem_shared>>, %arg11: memref<!tpu.dma_semaphore, #tpu.memory_space<semaphore_mem>>) attributes {dimension_semantics = [#tpu.dimension_semantics<core_parallel>, #tpu.dimension_semantics<subcore_parallel>], iteration_bounds = array<i64: 2, 16>, scalar_prefetch = 0 : i64, scratch_operands = 6 : i64, tpu.core_type = #tpu.core_type<sc_vector_subcore>, window_params = [{transform_indices = #map}, {transform_indices = #map}, {transform_indices = #map1}, {transform_indices = #map2}]} {
    %mul3A = arith.constant 16 : i32
    %mul3A_0 = arith.muli %arg0, %mul3A : i32
    %add3A = arith.addi %mul3A_0, %arg1 : i32
    %broadcast_in_dim3A = arith.constant 0.000000e+00 : f32
    %broadcast_in_dim3A_1 = vector.broadcast %broadcast_in_dim3A : f32 to vector<16xf32>
    %scan3A = arith.constant 0 : i32
    %scan3A_2 = arith.constant 0 : i32
    %scan3A_3 = arith.constant 128 : i32
    %scan3A_4 = arith.addi %scan3A_2, %scan3A_3 : i32
    %scan3A_5 = arith.constant 1 : i32
    scf.for %scan3A_26 = %scan3A_2 to %scan3A_4 step %scan3A_5  : i32 {
      %swap3A = arith.index_cast %scan3A_26 : i32 to index
      %swap3A_27 = arith.constant 0 : index
      %swap3A_28 = tpu.vector_load %arg9[%swap3A, %swap3A_27] {strides = array<i32>} : memref<128x128xf32, #tpu.memory_space<vmem>>, vector<1x16xf32>,
      %swap3A_29 = vector.shape_cast %swap3A_28 : vector<1x16xf32> to vector<16xf32>
      %swap3A_30 = vector.shape_cast %broadcast_in_dim3A_1 : vector<16xf32> to vector<1x16xf32>
      tpu.vector_store %arg9[%swap3A, %swap3A_27], %swap3A_30 {strides = array<i32>} : memref<128x128xf32, #tpu.memory_space<vmem>>, vector<1x16xf32>,
      %swap3A_31 = arith.index_cast %scan3A_26 : i32 to index
      %swap3A_32 = arith.constant 16 : index
      %swap3A_33 = tpu.vector_load %arg9[%swap3A_31, %swap3A_32] {strides = array<i32>} : memref<128x128xf32, #tpu.memory_space<vmem>>, vector<1x16xf32>,
      %swap3A_34 = vector.shape_cast %swap3A_33 : vector<1x16xf32> to vector<16xf32>
      %swap3A_35 = vector.shape_cast %broadcast_in_dim3A_1 : vector<16xf32> to vector<1x16xf32>
      tpu.vector_store %arg9[%swap3A_31, %swap3A_32], %swap3A_35 {strides = array<i32>} : memref<128x128xf32, #tpu.memory_space<vmem>>, vector<1x16xf32>,
      %swap3A_36 = arith.index_cast %scan3A_26 : i32 to index
      %swap3A_37 = arith.constant 32 : index
      %swap3A_38 = tpu.vector_load %arg9[%swap3A_36, %swap3A_37] {strides = array<i32>} : memref<128x128xf32, #tpu.memory_space<vmem>>, vector<1x16xf32>,
      %swap3A_39 = vector.shape_cast %swap3A_38 : vector<1x16xf32> to vector<16xf32>
      %swap3A_40 = vector.shape_cast %broadcast_in_dim3A_1 : vector<16xf32> to vector<1x16xf32>
      tpu.vector_store %arg9[%swap3A_36, %swap3A_37], %swap3A_40 {strides = array<i32>} : memref<128x128xf32, #tpu.memory_space<vmem>>, vector<1x16xf32>,
      %swap3A_41 = arith.index_cast %scan3A_26 : i32 to index
      %swap3A_42 = arith.constant 48 : index
      %swap3A_43 = tpu.vector_load %arg9[%swap3A_41, %swap3A_42] {strides = array<i32>} : memref<128x128xf32, #tpu.memory_space<vmem>>, vector<1x16xf32>,
      %swap3A_44 = vector.shape_cast %swap3A_43 : vector<1x16xf32> to vector<16xf32>
      %swap3A_45 = vector.shape_cast %broadcast_in_dim3A_1 : vector<16xf32> to vector<1x16xf32>
      tpu.vector_store %arg9[%swap3A_41, %swap3A_42], %swap3A_45 {strides = array<i32>} : memref<128x128xf32, #tpu.memory_space<vmem>>, vector<1x16xf32>,
      %swap3A_46 = arith.index_cast %scan3A_26 : i32 to index
      %swap3A_47 = arith.constant 64 : index
      %swap3A_48 = tpu.vector_load %arg9[%swap3A_46, %swap3A_47] {strides = array<i32>} : memref<128x128xf32, #tpu.memory_space<vmem>>, vector<1x16xf32>,
      %swap3A_49 = vector.shape_cast %swap3A_48 : vector<1x16xf32> to vector<16xf32>
      %swap3A_50 = vector.shape_cast %broadcast_in_dim3A_1 : vector<16xf32> to vector<1x16xf32>
      tpu.vector_store %arg9[%swap3A_46, %swap3A_47], %swap3A_50 {strides = array<i32>} : memref<128x128xf32, #tpu.memory_space<vmem>>, vector<1x16xf32>,
      %swap3A_51 = arith.index_cast %scan3A_26 : i32 to index
      %swap3A_52 = arith.constant 80 : index
      %swap3A_53 = tpu.vector_load %arg9[%swap3A_51, %swap3A_52] {strides = array<i32>} : memref<128x128xf32, #tpu.memory_space<vmem>>, vector<1x16xf32>,
      %swap3A_54 = vector.shape_cast %swap3A_53 : vector<1x16xf32> to vector<16xf32>
      %swap3A_55 = vector.shape_cast %broadcast_in_dim3A_1 : vector<16xf32> to vector<1x16xf32>
      tpu.vector_store %arg9[%swap3A_51, %swap3A_52], %swap3A_55 {strides = array<i32>} : memref<128x128xf32, #tpu.memory_space<vmem>>, vector<1x16xf32>,
      %swap3A_56 = arith.index_cast %scan3A_26 : i32 to index
      %swap3A_57 = arith.constant 96 : index
      %swap3A_58 = tpu.vector_load %arg9[%swap3A_56, %swap3A_57] {strides = array<i32>} : memref<128x128xf32, #tpu.memory_space<vmem>>, vector<1x16xf32>,
      %swap3A_59 = vector.shape_cast %swap3A_58 : vector<1x16xf32> to vector<16xf32>
      %swap3A_60 = vector.shape_cast %broadcast_in_dim3A_1 : vector<16xf32> to vector<1x16xf32>
      tpu.vector_store %arg9[%swap3A_56, %swap3A_57], %swap3A_60 {strides = array<i32>} : memref<128x128xf32, #tpu.memory_space<vmem>>, vector<1x16xf32>,
      %swap3A_61 = arith.index_cast %scan3A_26 : i32 to index
      %swap3A_62 = arith.constant 112 : index
      %swap3A_63 = tpu.vector_load %arg9[%swap3A_61, %swap3A_62] {strides = array<i32>} : memref<128x128xf32, #tpu.memory_space<vmem>>, vector<1x16xf32>,
      %swap3A_64 = vector.shape_cast %swap3A_63 : vector<1x16xf32> to vector<16xf32>
      %swap3A_65 = vector.shape_cast %broadcast_in_dim3A_1 : vector<16xf32> to vector<1x16xf32>
      tpu.vector_store %arg9[%swap3A_61, %swap3A_62], %swap3A_65 {strides = array<i32>} : memref<128x128xf32, #tpu.memory_space<vmem>>, vector<1x16xf32>,
    }
    %scan3A_6 = arith.constant 128 : i32
    %mul3A_7 = arith.constant 640 : i32
    %mul3A_8 = arith.muli %arg1, %mul3A_7 : i32
    %add3A_9 = arith.constant 0 : i32
    %add3A_10 = arith.addi %mul3A_8, %add3A_9 : i32
    "tpu.region"() ({
      %run_scoped3A = tpu.sem_alloc : memref<!tpu.dma_semaphore, #tpu.memory_space<semaphore_mem>>
      %dma_start3A = arith.constant 0 : i32
      %dma_start3A_26 = arith.constant 0 : i32
      %dma_start3A_27 = tpu.memref_slice %arg9[%dma_start3A, %dma_start3A_26] : memref<128x128xf32, #tpu.memory_space<vmem>> -> memref<128x128xf32, #tpu.memory_space<vmem>>
      %dma_start3A_28 = arith.constant 0 : i32
      %dma_start3A_29 = tpu.memref_slice %arg10[%add3A_10, %dma_start3A_28] : memref<10240x128xf32, #tpu.memory_space<vmem_shared>> -> memref<128x128xf32, #tpu.memory_space<vmem_shared>>
      %dma_start3A_30 = arith.constant 0 : i32
      %dma_start3A_31 = tpu.memref_slice %arg10[%add3A_10, %dma_start3A_30] : memref<10240x128xf32, #tpu.memory_space<vmem_shared>> -> memref<128x128xf32, #tpu.memory_space<vmem_shared>>
      %dma_start3A_32 = arith.constant 0 : i32
      %dma_start3A_33 = arith.constant 0 : i32
      %dma_start3A_34 = tpu.memref_slice %arg9[%dma_start3A_32, %dma_start3A_33] : memref<128x128xf32, #tpu.memory_space<vmem>> -> memref<128x128xf32, #tpu.memory_space<vmem>>
      tpu.enqueue_dma source(%dma_start3A_34 : memref<128x128xf32, #tpu.memory_space<vmem>>) target(%dma_start3A_31 : memref<128x128xf32, #tpu.memory_space<vmem_shared>>) target_semaphore(%run_scoped3A : memref<!tpu.dma_semaphore, #tpu.memory_space<semaphore_mem>>)
      %dma_wait3A = arith.constant 0 : i32
      %dma_wait3A_35 = arith.constant 0 : i32
      %dma_wait3A_36 = tpu.memref_slice %arg9[%dma_wait3A, %dma_wait3A_35] : memref<128x128xf32, #tpu.memory_space<vmem>> -> memref<128x128xf32, #tpu.memory_space<vmem>>
      %dma_wait3A_37 = arith.constant 0 : i32
      %dma_wait3A_38 = tpu.memref_slice %arg10[%add3A_10, %dma_wait3A_37] : memref<10240x128xf32, #tpu.memory_space<vmem_shared>> -> memref<128x128xf32, #tpu.memory_space<vmem_shared>>
      %dma_wait3A_39 = arith.constant 0 : i32
      %dma_wait3A_40 = tpu.memref_slice %arg10[%add3A_10, %dma_wait3A_39] : memref<10240x128xf32, #tpu.memory_space<vmem_shared>> -> memref<128x128xf32, #tpu.memory_space<vmem_shared>>
      %dma_wait3A_41 = arith.constant 0 : i32
      %dma_wait3A_42 = arith.constant 0 : i32
      %dma_wait3A_43 = tpu.memref_slice %arg9[%dma_wait3A_41, %dma_wait3A_42] : memref<128x128xf32, #tpu.memory_space<vmem>> -> memref<128x128xf32, #tpu.memory_space<vmem>>
      tpu.wait_dma2 semaphore(%run_scoped3A : memref<!tpu.dma_semaphore, #tpu.memory_space<semaphore_mem>>) src(%dma_wait3A_43 : memref<128x128xf32, #tpu.memory_space<vmem>>) dst(%dma_wait3A_40 : memref<128x128xf32, #tpu.memory_space<vmem_shared>>)
      tpu.yield
    }) : () -> ()
    %add3A_11 = arith.constant 128 : i32
    %add3A_12 = arith.addi %mul3A_8, %add3A_11 : i32
    "tpu.region"() ({
      %run_scoped3A = tpu.sem_alloc : memref<!tpu.dma_semaphore, #tpu.memory_space<semaphore_mem>>
      %dma_start3A = arith.constant 0 : i32
      %dma_start3A_26 = arith.constant 0 : i32
      %dma_start3A_27 = tpu.memref_slice %arg9[%dma_start3A, %dma_start3A_26] : memref<128x128xf32, #tpu.memory_space<vmem>> -> memref<128x128xf32, #tpu.memory_space<vmem>>
      %dma_start3A_28 = arith.constant 0 : i32
      %dma_start3A_29 = tpu.memref_slice %arg10[%add3A_12, %dma_start3A_28] : memref<10240x128xf32, #tpu.memory_space<vmem_shared>> -> memref<128x128xf32, #tpu.memory_space<vmem_shared>>
      %dma_start3A_30 = arith.constant 0 : i32
      %dma_start3A_31 = tpu.memref_slice %arg10[%add3A_12, %dma_start3A_30] : memref<10240x128xf32, #tpu.memory_space<vmem_shared>> -> memref<128x128xf32, #tpu.memory_space<vmem_shared>>
      %dma_start3A_32 = arith.constant 0 : i32
      %dma_start3A_33 = arith.constant 0 : i32
      %dma_start3A_34 = tpu.memref_slice %arg9[%dma_start3A_32, %dma_start3A_33] : memref<128x128xf32, #tpu.memory_space<vmem>> -> memref<128x128xf32, #tpu.memory_space<vmem>>
      tpu.enqueue_dma source(%dma_start3A_34 : memref<128x128xf32, #tpu.memory_space<vmem>>) target(%dma_start3A_31 : memref<128x128xf32, #tpu.memory_space<vmem_shared>>) target_semaphore(%run_scoped3A : memref<!tpu.dma_semaphore, #tpu.memory_space<semaphore_mem>>)
      %dma_wait3A = arith.constant 0 : i32
      %dma_wait3A_35 = arith.constant 0 : i32
      %dma_wait3A_36 = tpu.memref_slice %arg9[%dma_wait3A, %dma_wait3A_35] : memref<128x128xf32, #tpu.memory_space<vmem>> -> memref<128x128xf32, #tpu.memory_space<vmem>>
      %dma_wait3A_37 = arith.constant 0 : i32
      %dma_wait3A_38 = tpu.memref_slice %arg10[%add3A_12, %dma_wait3A_37] : memref<10240x128xf32, #tpu.memory_space<vmem_shared>> -> memref<128x128xf32, #tpu.memory_space<vmem_shared>>
      %dma_wait3A_39 = arith.constant 0 : i32
      %dma_wait3A_40 = tpu.memref_slice %arg10[%add3A_12, %dma_wait3A_39] : memref<10240x128xf32, #tpu.memory_space<vmem_shared>> -> memref<128x128xf32, #tpu.memory_space<vmem_shared>>
      %dma_wait3A_41 = arith.constant 0 : i32
      %dma_wait3A_42 = arith.constant 0 : i32
      %dma_wait3A_43 = tpu.memref_slice %arg9[%dma_wait3A_41, %dma_wait3A_42] : memref<128x128xf32, #tpu.memory_space<vmem>> -> memref<128x128xf32, #tpu.memory_space<vmem>>
      tpu.wait_dma2 semaphore(%run_scoped3A : memref<!tpu.dma_semaphore, #tpu.memory_space<semaphore_mem>>) src(%dma_wait3A_43 : memref<128x128xf32, #tpu.memory_space<vmem>>) dst(%dma_wait3A_40 : memref<128x128xf32, #tpu.memory_space<vmem_shared>>)
      tpu.yield
    }) : () -> ()
    %add3A_13 = arith.constant 256 : i32
    %add3A_14 = arith.addi %mul3A_8, %add3A_13 : i32
    "tpu.region"() ({
      %run_scoped3A = tpu.sem_alloc : memref<!tpu.dma_semaphore, #tpu.memory_space<semaphore_mem>>
      %dma_start3A = arith.constant 0 : i32
      %dma_start3A_26 = arith.constant 0 : i32
      %dma_start3A_27 = tpu.memref_slice %arg9[%dma_start3A, %dma_start3A_26] : memref<128x128xf32, #tpu.memory_space<vmem>> -> memref<128x128xf32, #tpu.memory_space<vmem>>
      %dma_start3A_28 = arith.constant 0 : i32
      %dma_start3A_29 = tpu.memref_slice %arg10[%add3A_14, %dma_start3A_28] : memref<10240x128xf32, #tpu.memory_space<vmem_shared>> -> memref<128x128xf32, #tpu.memory_space<vmem_shared>>
      %dma_start3A_30 = arith.constant 0 : i32
      %dma_start3A_31 = tpu.memref_slice %arg10[%add3A_14, %dma_start3A_30] : memref<10240x128xf32, #tpu.memory_space<vmem_shared>> -> memref<128x128xf32, #tpu.memory_space<vmem_shared>>
      %dma_start3A_32 = arith.constant 0 : i32
      %dma_start3A_33 = arith.constant 0 : i32
      %dma_start3A_34 = tpu.memref_slice %arg9[%dma_start3A_32, %dma_start3A_33] : memref<128x128xf32, #tpu.memory_space<vmem>> -> memref<128x128xf32, #tpu.memory_space<vmem>>
      tpu.enqueue_dma source(%dma_start3A_34 : memref<128x128xf32, #tpu.memory_space<vmem>>) target(%dma_start3A_31 : memref<128x128xf32, #tpu.memory_space<vmem_shared>>) target_semaphore(%run_scoped3A : memref<!tpu.dma_semaphore, #tpu.memory_space<semaphore_mem>>)
      %dma_wait3A = arith.constant 0 : i32
      %dma_wait3A_35 = arith.constant 0 : i32
      %dma_wait3A_36 = tpu.memref_slice %arg9[%dma_wait3A, %dma_wait3A_35] : memref<128x128xf32, #tpu.memory_space<vmem>> -> memref<128x128xf32, #tpu.memory_space<vmem>>
      %dma_wait3A_37 = arith.constant 0 : i32
      %dma_wait3A_38 = tpu.memref_slice %arg10[%add3A_14, %dma_wait3A_37] : memref<10240x128xf32, #tpu.memory_space<vmem_shared>> -> memref<128x128xf32, #tpu.memory_space<vmem_shared>>
      %dma_wait3A_39 = arith.constant 0 : i32
      %dma_wait3A_40 = tpu.memref_slice %arg10[%add3A_14, %dma_wait3A_39] : memref<10240x128xf32, #tpu.memory_space<vmem_shared>> -> memref<128x128xf32, #tpu.memory_space<vmem_shared>>
      %dma_wait3A_41 = arith.constant 0 : i32
      %dma_wait3A_42 = arith.constant 0 : i32
      %dma_wait3A_43 = tpu.memref_slice %arg9[%dma_wait3A_41, %dma_wait3A_42] : memref<128x128xf32, #tpu.memory_space<vmem>> -> memref<128x128xf32, #tpu.memory_space<vmem>>
      tpu.wait_dma2 semaphore(%run_scoped3A : memref<!tpu.dma_semaphore, #tpu.memory_space<semaphore_mem>>) src(%dma_wait3A_43 : memref<128x128xf32, #tpu.memory_space<vmem>>) dst(%dma_wait3A_40 : memref<128x128xf32, #tpu.memory_space<vmem_shared>>)
      tpu.yield
    }) : () -> ()
    %add3A_15 = arith.constant 384 : i32
    %add3A_16 = arith.addi %mul3A_8, %add3A_15 : i32
    "tpu.region"() ({
      %run_scoped3A = tpu.sem_alloc : memref<!tpu.dma_semaphore, #tpu.memory_space<semaphore_mem>>
      %dma_start3A = arith.constant 0 : i32
      %dma_start3A_26 = arith.constant 0 : i32
      %dma_start3A_27 = tpu.memref_slice %arg9[%dma_start3A, %dma_start3A_26] : memref<128x128xf32, #tpu.memory_space<vmem>> -> memref<128x128xf32, #tpu.memory_space<vmem>>
      %dma_start3A_28 = arith.constant 0 : i32
      %dma_start3A_29 = tpu.memref_slice %arg10[%add3A_16, %dma_start3A_28] : memref<10240x128xf32, #tpu.memory_space<vmem_shared>> -> memref<128x128xf32, #tpu.memory_space<vmem_shared>>
      %dma_start3A_30 = arith.constant 0 : i32
      %dma_start3A_31 = tpu.memref_slice %arg10[%add3A_16, %dma_start3A_30] : memref<10240x128xf32, #tpu.memory_space<vmem_shared>> -> memref<128x128xf32, #tpu.memory_space<vmem_shared>>
      %dma_start3A_32 = arith.constant 0 : i32
      %dma_start3A_33 = arith.constant 0 : i32
      %dma_start3A_34 = tpu.memref_slice %arg9[%dma_start3A_32, %dma_start3A_33] : memref<128x128xf32, #tpu.memory_space<vmem>> -> memref<128x128xf32, #tpu.memory_space<vmem>>
      tpu.enqueue_dma source(%dma_start3A_34 : memref<128x128xf32, #tpu.memory_space<vmem>>) target(%dma_start3A_31 : memref<128x128xf32, #tpu.memory_space<vmem_shared>>) target_semaphore(%run_scoped3A : memref<!tpu.dma_semaphore, #tpu.memory_space<semaphore_mem>>)
      %dma_wait3A = arith.constant 0 : i32
      %dma_wait3A_35 = arith.constant 0 : i32
      %dma_wait3A_36 = tpu.memref_slice %arg9[%dma_wait3A, %dma_wait3A_35] : memref<128x128xf32, #tpu.memory_space<vmem>> -> memref<128x128xf32, #tpu.memory_space<vmem>>
      %dma_wait3A_37 = arith.constant 0 : i32
      %dma_wait3A_38 = tpu.memref_slice %arg10[%add3A_16, %dma_wait3A_37] : memref<10240x128xf32, #tpu.memory_space<vmem_shared>> -> memref<128x128xf32, #tpu.memory_space<vmem_shared>>
      %dma_wait3A_39 = arith.constant 0 : i32
      %dma_wait3A_40 = tpu.memref_slice %arg10[%add3A_16, %dma_wait3A_39] : memref<10240x128xf32, #tpu.memory_space<vmem_shared>> -> memref<128x128xf32, #tpu.memory_space<vmem_shared>>
      %dma_wait3A_41 = arith.constant 0 : i32
      %dma_wait3A_42 = arith.constant 0 : i32
      %dma_wait3A_43 = tpu.memref_slice %arg9[%dma_wait3A_41, %dma_wait3A_42] : memref<128x128xf32, #tpu.memory_space<vmem>> -> memref<128x128xf32, #tpu.memory_space<vmem>>
      tpu.wait_dma2 semaphore(%run_scoped3A : memref<!tpu.dma_semaphore, #tpu.memory_space<semaphore_mem>>) src(%dma_wait3A_43 : memref<128x128xf32, #tpu.memory_space<vmem>>) dst(%dma_wait3A_40 : memref<128x128xf32, #tpu.memory_space<vmem_shared>>)
      tpu.yield
    }) : () -> ()
    %add3A_17 = arith.constant 512 : i32
    %add3A_18 = arith.addi %mul3A_8, %add3A_17 : i32
    "tpu.region"() ({
      %run_scoped3A = tpu.sem_alloc : memref<!tpu.dma_semaphore, #tpu.memory_space<semaphore_mem>>
      %dma_start3A = arith.constant 0 : i32
      %dma_start3A_26 = arith.constant 0 : i32
      %dma_start3A_27 = tpu.memref_slice %arg9[%dma_start3A, %dma_start3A_26] : memref<128x128xf32, #tpu.memory_space<vmem>> -> memref<128x128xf32, #tpu.memory_space<vmem>>
      %dma_start3A_28 = arith.constant 0 : i32
      %dma_start3A_29 = tpu.memref_slice %arg10[%add3A_18, %dma_start3A_28] : memref<10240x128xf32, #tpu.memory_space<vmem_shared>> -> memref<128x128xf32, #tpu.memory_space<vmem_shared>>
      %dma_start3A_30 = arith.constant 0 : i32
      %dma_start3A_31 = tpu.memref_slice %arg10[%add3A_18, %dma_start3A_30] : memref<10240x128xf32, #tpu.memory_space<vmem_shared>> -> memref<128x128xf32, #tpu.memory_space<vmem_shared>>
      %dma_start3A_32 = arith.constant 0 : i32
      %dma_start3A_33 = arith.constant 0 : i32
      %dma_start3A_34 = tpu.memref_slice %arg9[%dma_start3A_32, %dma_start3A_33] : memref<128x128xf32, #tpu.memory_space<vmem>> -> memref<128x128xf32, #tpu.memory_space<vmem>>
      tpu.enqueue_dma source(%dma_start3A_34 : memref<128x128xf32, #tpu.memory_space<vmem>>) target(%dma_start3A_31 : memref<128x128xf32, #tpu.memory_space<vmem_shared>>) target_semaphore(%run_scoped3A : memref<!tpu.dma_semaphore, #tpu.memory_space<semaphore_mem>>)
      %dma_wait3A = arith.constant 0 : i32
      %dma_wait3A_35 = arith.constant 0 : i32
      %dma_wait3A_36 = tpu.memref_slice %arg9[%dma_wait3A, %dma_wait3A_35] : memref<128x128xf32, #tpu.memory_space<vmem>> -> memref<128x128xf32, #tpu.memory_space<vmem>>
      %dma_wait3A_37 = arith.constant 0 : i32
      %dma_wait3A_38 = tpu.memref_slice %arg10[%add3A_18, %dma_wait3A_37] : memref<10240x128xf32, #tpu.memory_space<vmem_shared>> -> memref<128x128xf32, #tpu.memory_space<vmem_shared>>
      %dma_wait3A_39 = arith.constant 0 : i32
      %dma_wait3A_40 = tpu.memref_slice %arg10[%add3A_18, %dma_wait3A_39] : memref<10240x128xf32, #tpu.memory_space<vmem_shared>> -> memref<128x128xf32, #tpu.memory_space<vmem_shared>>
      %dma_wait3A_41 = arith.constant 0 : i32
      %dma_wait3A_42 = arith.constant 0 : i32
      %dma_wait3A_43 = tpu.memref_slice %arg9[%dma_wait3A_41, %dma_wait3A_42] : memref<128x128xf32, #tpu.memory_space<vmem>> -> memref<128x128xf32, #tpu.memory_space<vmem>>
      tpu.wait_dma2 semaphore(%run_scoped3A : memref<!tpu.dma_semaphore, #tpu.memory_space<semaphore_mem>>) src(%dma_wait3A_43 : memref<128x128xf32, #tpu.memory_space<vmem>>) dst(%dma_wait3A_40 : memref<128x128xf32, #tpu.memory_space<vmem_shared>>)
      tpu.yield
    }) : () -> ()
    %barrier3A = arith.constant 0 : index
    tpu.barrier barrier_id(%barrier3A)
    %scan3A_19 = arith.constant 0 : i32
    %scan3A_20 = arith.constant 0 : i32
    %scan3A_21 = arith.constant 79 : i32
    %scan3A_22 = arith.addi %scan3A_20, %scan3A_21 : i32
    %scan3A_23 = arith.constant 1 : i32
    scf.for %scan3A_26 = %scan3A_20 to %scan3A_22 step %scan3A_23  : i32 {
      %mul3A_27 = arith.constant 32 : i32
      %mul3A_28 = arith.muli %scan3A_26, %mul3A_27 : i32
      %add3A_29 = arith.addi %mul3A_28, %add3A : i32
      %lt3A = arith.constant 2500 : i32
      %lt3A_30 = arith.cmpi slt, %add3A_29, %lt3A : i32
      %convert_element_type3A = arith.extui %lt3A_30 : i1 to i32
      %cond3A = arith.constant 0 : i32
      %cond3A_31 = arith.cmpi ne, %convert_element_type3A, %cond3A : i32
      scf.if %cond3A_31 {
        %mul3A_32 = arith.constant 128 : i32
        %mul3A_33 = arith.muli %add3A_29, %mul3A_32 : i32
        %run_scoped3A = arith.constant 0 : i32
        "tpu.region"() ({
          %run_scoped3A_48 = tpu.sem_alloc : memref<!tpu.dma_semaphore, #tpu.memory_space<semaphore_mem>>
          %dma_start3A_49 = arith.constant 0 : i32
          %dma_start3A_50 = tpu.memref_slice %arg6[%run_scoped3A, %dma_start3A_49] : memref<1x128xi32, #tpu.memory_space<vmem>> -> memref<1x128xi32, #tpu.memory_space<vmem>>
          %dma_start3A_51 = tpu.memref_squeeze %dma_start3A_50 : memref<1x128xi32, #tpu.memory_space<vmem>> -> memref<128xi32, #tpu.memory_space<vmem>>
          %dma_start3A_52 = tpu.memref_slice %arg2[%mul3A_33] : memref<320000xi32, #tpu.memory_space<hbm>> -> memref<128xi32, #tpu.memory_space<hbm>>
          %dma_start3A_53 = arith.constant 0 : i32
          %dma_start3A_54 = tpu.memref_slice %arg6[%run_scoped3A, %dma_start3A_53] : memref<1x128xi32, #tpu.memory_space<vmem>> -> memref<1x128xi32, #tpu.memory_space<vmem>>
          %dma_start3A_55 = tpu.memref_squeeze %dma_start3A_54 : memref<1x128xi32, #tpu.memory_space<vmem>> -> memref<128xi32, #tpu.memory_space<vmem>>
          %dma_start3A_56 = tpu.memref_slice %arg2[%mul3A_33] : memref<320000xi32, #tpu.memory_space<hbm>> -> memref<128xi32, #tpu.memory_space<hbm>>
          tpu.enqueue_dma source(%dma_start3A_56 : memref<128xi32, #tpu.memory_space<hbm>>) target(%dma_start3A_55 : memref<128xi32, #tpu.memory_space<vmem>>) target_semaphore(%run_scoped3A_48 : memref<!tpu.dma_semaphore, #tpu.memory_space<semaphore_mem>>)
          %dma_wait3A_57 = arith.constant 0 : i32
          %dma_wait3A_58 = tpu.memref_slice %arg6[%run_scoped3A, %dma_wait3A_57] : memref<1x128xi32, #tpu.memory_space<vmem>> -> memref<1x128xi32, #tpu.memory_space<vmem>>
          %dma_wait3A_59 = tpu.memref_squeeze %dma_wait3A_58 : memref<1x128xi32, #tpu.memory_space<vmem>> -> memref<128xi32, #tpu.memory_space<vmem>>
          %dma_wait3A_60 = tpu.memref_slice %arg2[%mul3A_33] : memref<320000xi32, #tpu.memory_space<hbm>> -> memref<128xi32, #tpu.memory_space<hbm>>
          %dma_wait3A_61 = arith.constant 0 : i32
          %dma_wait3A_62 = tpu.memref_slice %arg6[%run_scoped3A, %dma_wait3A_61] : memref<1x128xi32, #tpu.memory_space<vmem>> -> memref<1x128xi32, #tpu.memory_space<vmem>>
          %dma_wait3A_63 = tpu.memref_squeeze %dma_wait3A_62 : memref<1x128xi32, #tpu.memory_space<vmem>> -> memref<128xi32, #tpu.memory_space<vmem>>
          %dma_wait3A_64 = tpu.memref_slice %arg2[%mul3A_33] : memref<320000xi32, #tpu.memory_space<hbm>> -> memref<128xi32, #tpu.memory_space<hbm>>
          tpu.wait_dma2 semaphore(%run_scoped3A_48 : memref<!tpu.dma_semaphore, #tpu.memory_space<semaphore_mem>>) src(%dma_wait3A_64 : memref<128xi32, #tpu.memory_space<hbm>>) dst(%dma_wait3A_63 : memref<128xi32, #tpu.memory_space<vmem>>)
          tpu.yield
        }) : () -> ()
        %run_scoped3A_34 = arith.constant 0 : i32
        "tpu.region"() ({
          %run_scoped3A_48 = tpu.sem_alloc : memref<!tpu.dma_semaphore, #tpu.memory_space<semaphore_mem>>
          %dma_start3A_49 = arith.constant 0 : i32
          %dma_start3A_50 = tpu.memref_slice %arg7[%run_scoped3A_34, %dma_start3A_49] : memref<1x128xi32, #tpu.memory_space<vmem>> -> memref<1x128xi32, #tpu.memory_space<vmem>>
          %dma_start3A_51 = tpu.memref_squeeze %dma_start3A_50 : memref<1x128xi32, #tpu.memory_space<vmem>> -> memref<128xi32, #tpu.memory_space<vmem>>
          %dma_start3A_52 = tpu.memref_slice %arg3[%mul3A_33] : memref<320000xi32, #tpu.memory_space<hbm>> -> memref<128xi32, #tpu.memory_space<hbm>>
          %dma_start3A_53 = arith.constant 0 : i32
          %dma_start3A_54 = tpu.memref_slice %arg7[%run_scoped3A_34, %dma_start3A_53] : memref<1x128xi32, #tpu.memory_space<vmem>> -> memref<1x128xi32, #tpu.memory_space<vmem>>
          %dma_start3A_55 = tpu.memref_squeeze %dma_start3A_54 : memref<1x128xi32, #tpu.memory_space<vmem>> -> memref<128xi32, #tpu.memory_space<vmem>>
          %dma_start3A_56 = tpu.memref_slice %arg3[%mul3A_33] : memref<320000xi32, #tpu.memory_space<hbm>> -> memref<128xi32, #tpu.memory_space<hbm>>
          tpu.enqueue_dma source(%dma_start3A_56 : memref<128xi32, #tpu.memory_space<hbm>>) target(%dma_start3A_55 : memref<128xi32, #tpu.memory_space<vmem>>) target_semaphore(%run_scoped3A_48 : memref<!tpu.dma_semaphore, #tpu.memory_space<semaphore_mem>>)
          %dma_wait3A_57 = arith.constant 0 : i32
          %dma_wait3A_58 = tpu.memref_slice %arg7[%run_scoped3A_34, %dma_wait3A_57] : memref<1x128xi32, #tpu.memory_space<vmem>> -> memref<1x128xi32, #tpu.memory_space<vmem>>
          %dma_wait3A_59 = tpu.memref_squeeze %dma_wait3A_58 : memref<1x128xi32, #tpu.memory_space<vmem>> -> memref<128xi32, #tpu.memory_space<vmem>>
          %dma_wait3A_60 = tpu.memref_slice %arg3[%mul3A_33] : memref<320000xi32, #tpu.memory_space<hbm>> -> memref<128xi32, #tpu.memory_space<hbm>>
          %dma_wait3A_61 = arith.constant 0 : i32
          %dma_wait3A_62 = tpu.memref_slice %arg7[%run_scoped3A_34, %dma_wait3A_61] : memref<1x128xi32, #tpu.memory_space<vmem>> -> memref<1x128xi32, #tpu.memory_space<vmem>>
          %dma_wait3A_63 = tpu.memref_squeeze %dma_wait3A_62 : memref<1x128xi32, #tpu.memory_space<vmem>> -> memref<128xi32, #tpu.memory_space<vmem>>
          %dma_wait3A_64 = tpu.memref_slice %arg3[%mul3A_33] : memref<320000xi32, #tpu.memory_space<hbm>> -> memref<128xi32, #tpu.memory_space<hbm>>
          tpu.wait_dma2 semaphore(%run_scoped3A_48 : memref<!tpu.dma_semaphore, #tpu.memory_space<semaphore_mem>>) src(%dma_wait3A_64 : memref<128xi32, #tpu.memory_space<hbm>>) dst(%dma_wait3A_63 : memref<128xi32, #tpu.memory_space<vmem>>)
          tpu.yield
        }) : () -> ()
        %dma_start3A = arith.constant 0 : i32
        %dma_start3A_35 = arith.constant 0 : i32
        %dma_start3A_36 = tpu.memref_slice %arg6[%dma_start3A, %dma_start3A_35] : memref<1x128xi32, #tpu.memory_space<vmem>> -> memref<1x128xi32, #tpu.memory_space<vmem>>
        %dma_start3A_37 = tpu.memref_squeeze %dma_start3A_36 : memref<1x128xi32, #tpu.memory_space<vmem>> -> memref<128xi32, #tpu.memory_space<vmem>>
        %dma_start3A_38 = arith.constant 0 : i32
        %dma_start3A_39 = arith.constant 0 : i32
        %dma_start3A_40 = tpu.memref_slice %arg4[%dma_start3A_38, %dma_start3A_39] : memref<10000x128xf32, #tpu.memory_space<hbm>> -> memref<10000x128xf32, #tpu.memory_space<hbm>>
        tpu.enqueue_indirect_dma source(%dma_start3A_40 : memref<10000x128xf32, #tpu.memory_space<hbm>>) target(%arg8 : memref<128x128xf32, #tpu.memory_space<vmem>>) offsets(%dma_start3A_37 : memref<128xi32, #tpu.memory_space<vmem>>) semaphore(%arg11 : memref<!tpu.dma_semaphore, #tpu.memory_space<semaphore_mem>>)
        %dma_wait3A = arith.constant 0 : i32
        %dma_wait3A_41 = arith.constant 0 : i32
        %dma_wait3A_42 = tpu.memref_slice %arg6[%dma_wait3A, %dma_wait3A_41] : memref<1x128xi32, #tpu.memory_space<vmem>> -> memref<1x128xi32, #tpu.memory_space<vmem>>
        %dma_wait3A_43 = tpu.memref_squeeze %dma_wait3A_42 : memref<1x128xi32, #tpu.memory_space<vmem>> -> memref<128xi32, #tpu.memory_space<vmem>>
        %dma_wait3A_44 = arith.constant 0 : i32
        %dma_wait3A_45 = arith.constant 0 : i32
        %dma_wait3A_46 = tpu.memref_slice %arg4[%dma_wait3A_44, %dma_wait3A_45] : memref<10000x128xf32, #tpu.memory_space<hbm>> -> memref<10000x128xf32, #tpu.memory_space<hbm>>
        tpu.wait_indirect_dma semaphore(%arg11 : memref<!tpu.dma_semaphore, #tpu.memory_space<semaphore_mem>>) src(%dma_wait3A_46 : memref<10000x128xf32, #tpu.memory_space<hbm>>) dst(%arg8 : memref<128x128xf32, #tpu.memory_space<vmem>>)
        %run_scoped3A_47 = arith.constant 0 : i32
        "tpu.region"() ({
          %run_scoped3A_48 = tpu.sem_alloc : memref<!tpu.dma_semaphore, #tpu.memory_space<semaphore_mem>>
          %dma_start3A_49 = arith.constant 0 : i32
          %dma_start3A_50 = tpu.memref_slice %arg7[%run_scoped3A_47, %dma_start3A_49] : memref<1x128xi32, #tpu.memory_space<vmem>> -> memref<1x128xi32, #tpu.memory_space<vmem>>
          %dma_start3A_51 = tpu.memref_squeeze %dma_start3A_50 : memref<1x128xi32, #tpu.memory_space<vmem>> -> memref<128xi32, #tpu.memory_space<vmem>>
          %dma_start3A_52 = arith.constant 0 : i32
          %dma_start3A_53 = arith.constant 0 : i32
          %dma_start3A_54 = tpu.memref_slice %arg10[%dma_start3A_52, %dma_start3A_53] : memref<10240x128xf32, #tpu.memory_space<vmem_shared>> -> memref<10240x128xf32, #tpu.memory_space<vmem_shared>>
          tpu.enqueue_indirect_dma source(%arg8 : memref<128x128xf32, #tpu.memory_space<vmem>>) target(%dma_start3A_54 : memref<10240x128xf32, #tpu.memory_space<vmem_shared>>) offsets(%dma_start3A_51 : memref<128xi32, #tpu.memory_space<vmem>>) semaphore(%run_scoped3A_48 : memref<!tpu.dma_semaphore, #tpu.memory_space<semaphore_mem>>) {add = true}
          %dma_wait3A_55 = arith.constant 0 : i32
          %dma_wait3A_56 = tpu.memref_slice %arg7[%run_scoped3A_47, %dma_wait3A_55] : memref<1x128xi32, #tpu.memory_space<vmem>> -> memref<1x128xi32, #tpu.memory_space<vmem>>
          %dma_wait3A_57 = tpu.memref_squeeze %dma_wait3A_56 : memref<1x128xi32, #tpu.memory_space<vmem>> -> memref<128xi32, #tpu.memory_space<vmem>>
          %dma_wait3A_58 = arith.constant 0 : i32
          %dma_wait3A_59 = arith.constant 0 : i32
          %dma_wait3A_60 = tpu.memref_slice %arg10[%dma_wait3A_58, %dma_wait3A_59] : memref<10240x128xf32, #tpu.memory_space<vmem_shared>> -> memref<10240x128xf32, #tpu.memory_space<vmem_shared>>
          tpu.wait_indirect_dma semaphore(%run_scoped3A_48 : memref<!tpu.dma_semaphore, #tpu.memory_space<semaphore_mem>>) src(%arg8 : memref<128x128xf32, #tpu.memory_space<vmem>>) dst(%dma_wait3A_60 : memref<10240x128xf32, #tpu.memory_space<vmem_shared>>)
          tpu.yield
        }) : () -> ()
      } else {
      }
    }
    %scan3A_24 = arith.constant 79 : i32
    %barrier3A_25 = arith.constant 0 : index
    tpu.barrier barrier_id(%barrier3A_25)
    "tpu.region"() ({
      %run_scoped3A = tpu.sem_alloc : memref<!tpu.dma_semaphore, #tpu.memory_space<semaphore_mem>>
      %dma_start3A = arith.constant 0 : i32
      %dma_start3A_26 = tpu.memref_slice %arg5[%arg0, %mul3A_8, %dma_start3A] : memref<2x10240x128xf32, #tpu.memory_space<hbm>> -> memref<1x640x128xf32, #tpu.memory_space<hbm>>
      %dma_start3A_27 = tpu.memref_squeeze %dma_start3A_26 : memref<1x640x128xf32, #tpu.memory_space<hbm>> -> memref<640x128xf32, #tpu.memory_space<hbm>>
      %dma_start3A_28 = arith.constant 0 : i32
      %dma_start3A_29 = tpu.memref_slice %arg10[%mul3A_8, %dma_start3A_28] : memref<10240x128xf32, #tpu.memory_space<vmem_shared>> -> memref<640x128xf32, #tpu.memory_space<vmem_shared>>
      tpu.enqueue_dma source(%dma_start3A_29 : memref<640x128xf32, #tpu.memory_space<vmem_shared>>) target(%dma_start3A_27 : memref<640x128xf32, #tpu.memory_space<hbm>>) target_semaphore(%run_scoped3A : memref<!tpu.dma_semaphore, #tpu.memory_space<semaphore_mem>>)
      %dma_wait3A = arith.constant 0 : i32
      %dma_wait3A_30 = tpu.memref_slice %arg5[%arg0, %mul3A_8, %dma_wait3A] : memref<2x10240x128xf32, #tpu.memory_space<hbm>> -> memref<1x640x128xf32, #tpu.memory_space<hbm>>
      %dma_wait3A_31 = tpu.memref_squeeze %dma_wait3A_30 : memref<1x640x128xf32, #tpu.memory_space<hbm>> -> memref<640x128xf32, #tpu.memory_space<hbm>>
      %dma_wait3A_32 = arith.constant 0 : i32
      %dma_wait3A_33 = tpu.memref_slice %arg10[%mul3A_8, %dma_wait3A_32] : memref<10240x128xf32, #tpu.memory_space<vmem_shared>> -> memref<640x128xf32, #tpu.memory_space<vmem_shared>>
      tpu.wait_dma2 semaphore(%run_scoped3A : memref<!tpu.dma_semaphore, #tpu.memory_space<semaphore_mem>>) src(%dma_wait3A_33 : memref<640x128xf32, #tpu.memory_space<vmem_shared>>) dst(%dma_wait3A_31 : memref<640x128xf32, #tpu.memory_space<hbm>>)
      tpu.yield
    }) : () -> ()
    return
  }
}

#map = affine_map<(d0, d1) -> (0)>
#map1 = affine_map<(d0, d1) -> (0, 0)>
#map2 = affine_map<(d0, d1) -> (0, 0, 0)>
module attributes {stable_mosaic.version = 14 : i64} {
  func.func @_spmm_body(%arg0: i32, %arg1: i32, %arg2: memref<320000xi32, #tpu.memory_space<hbm>>, %arg3: memref<320000xi32, #tpu.memory_space<hbm>>, %arg4: memref<10000x128xf32, #tpu.memory_space<hbm>>, %arg5: memref<2x10240x128xf32, #tpu.memory_space<hbm>>, %arg6: memref<1x128xi32, #tpu.memory_space<vmem>>, %arg7: memref<1x128xi32, #tpu.memory_space<vmem>>, %arg8: memref<128x128xf32, #tpu.memory_space<vmem>>, %arg9: memref<128x128xf32, #tpu.memory_space<vmem>>, %arg10: memref<10240x128xf32, #tpu.memory_space<vmem_shared>>, %arg11: memref<!tpu.dma_semaphore, #tpu.memory_space<semaphore_mem>>) attributes {dimension_semantics = [#tpu.dimension_semantics<core_parallel>, #tpu.dimension_semantics<subcore_parallel>], iteration_bounds = array<i64: 2, 16>, scalar_prefetch = 0 : i64, scratch_operands = 6 : i64, tpu.core_type = #tpu.core_type<sc_vector_subcore>, window_params = [{transform_indices = #map}, {transform_indices = #map}, {transform_indices = #map1}, {transform_indices = #map2}]} {
    %mul3A = arith.constant 16 : i32
    %mul3A_0 = arith.muli %arg0, %mul3A : i32
    %add3A = arith.addi %mul3A_0, %arg1 : i32
    %broadcast_in_dim3A = arith.constant 0.000000e+00 : f32
    %broadcast_in_dim3A_1 = vector.broadcast %broadcast_in_dim3A : f32 to vector<16xf32>
    %scan3A = arith.constant 0 : i32
    %scan3A_2 = arith.constant 0 : i32
    %scan3A_3 = arith.constant 128 : i32
    %scan3A_4 = arith.addi %scan3A_2, %scan3A_3 : i32
    %scan3A_5 = arith.constant 1 : i32
    scf.for %scan3A_26 = %scan3A_2 to %scan3A_4 step %scan3A_5  : i32 {
      %swap3A = arith.index_cast %scan3A_26 : i32 to index
      %swap3A_27 = arith.constant 0 : index
      %swap3A_28 = tpu.vector_load %arg9[%swap3A, %swap3A_27] {strides = array<i32>} : memref<128x128xf32, #tpu.memory_space<vmem>>, vector<1x16xf32>,
      %swap3A_29 = vector.shape_cast %swap3A_28 : vector<1x16xf32> to vector<16xf32>
      %swap3A_30 = vector.shape_cast %broadcast_in_dim3A_1 : vector<16xf32> to vector<1x16xf32>
      tpu.vector_store %arg9[%swap3A, %swap3A_27], %swap3A_30 {strides = array<i32>} : memref<128x128xf32, #tpu.memory_space<vmem>>, vector<1x16xf32>,
      %swap3A_31 = arith.index_cast %scan3A_26 : i32 to index
      %swap3A_32 = arith.constant 16 : index
      %swap3A_33 = tpu.vector_load %arg9[%swap3A_31, %swap3A_32] {strides = array<i32>} : memref<128x128xf32, #tpu.memory_space<vmem>>, vector<1x16xf32>,
      %swap3A_34 = vector.shape_cast %swap3A_33 : vector<1x16xf32> to vector<16xf32>
      %swap3A_35 = vector.shape_cast %broadcast_in_dim3A_1 : vector<16xf32> to vector<1x16xf32>
      tpu.vector_store %arg9[%swap3A_31, %swap3A_32], %swap3A_35 {strides = array<i32>} : memref<128x128xf32, #tpu.memory_space<vmem>>, vector<1x16xf32>,
      %swap3A_36 = arith.index_cast %scan3A_26 : i32 to index
      %swap3A_37 = arith.constant 32 : index
      %swap3A_38 = tpu.vector_load %arg9[%swap3A_36, %swap3A_37] {strides = array<i32>} : memref<128x128xf32, #tpu.memory_space<vmem>>, vector<1x16xf32>,
      %swap3A_39 = vector.shape_cast %swap3A_38 : vector<1x16xf32> to vector<16xf32>
      %swap3A_40 = vector.shape_cast %broadcast_in_dim3A_1 : vector<16xf32> to vector<1x16xf32>
      tpu.vector_store %arg9[%swap3A_36, %swap3A_37], %swap3A_40 {strides = array<i32>} : memref<128x128xf32, #tpu.memory_space<vmem>>, vector<1x16xf32>,
      %swap3A_41 = arith.index_cast %scan3A_26 : i32 to index
      %swap3A_42 = arith.constant 48 : index
      %swap3A_43 = tpu.vector_load %arg9[%swap3A_41, %swap3A_42] {strides = array<i32>} : memref<128x128xf32, #tpu.memory_space<vmem>>, vector<1x16xf32>,
      %swap3A_44 = vector.shape_cast %swap3A_43 : vector<1x16xf32> to vector<16xf32>
      %swap3A_45 = vector.shape_cast %broadcast_in_dim3A_1 : vector<16xf32> to vector<1x16xf32>
      tpu.vector_store %arg9[%swap3A_41, %swap3A_42], %swap3A_45 {strides = array<i32>} : memref<128x128xf32, #tpu.memory_space<vmem>>, vector<1x16xf32>,
      %swap3A_46 = arith.index_cast %scan3A_26 : i32 to index
      %swap3A_47 = arith.constant 64 : index
      %swap3A_48 = tpu.vector_load %arg9[%swap3A_46, %swap3A_47] {strides = array<i32>} : memref<128x128xf32, #tpu.memory_space<vmem>>, vector<1x16xf32>,
      %swap3A_49 = vector.shape_cast %swap3A_48 : vector<1x16xf32> to vector<16xf32>
      %swap3A_50 = vector.shape_cast %broadcast_in_dim3A_1 : vector<16xf32> to vector<1x16xf32>
      tpu.vector_store %arg9[%swap3A_46, %swap3A_47], %swap3A_50 {strides = array<i32>} : memref<128x128xf32, #tpu.memory_space<vmem>>, vector<1x16xf32>,
      %swap3A_51 = arith.index_cast %scan3A_26 : i32 to index
      %swap3A_52 = arith.constant 80 : index
      %swap3A_53 = tpu.vector_load %arg9[%swap3A_51, %swap3A_52] {strides = array<i32>} : memref<128x128xf32, #tpu.memory_space<vmem>>, vector<1x16xf32>,
      %swap3A_54 = vector.shape_cast %swap3A_53 : vector<1x16xf32> to vector<16xf32>
      %swap3A_55 = vector.shape_cast %broadcast_in_dim3A_1 : vector<16xf32> to vector<1x16xf32>
      tpu.vector_store %arg9[%swap3A_51, %swap3A_52], %swap3A_55 {strides = array<i32>} : memref<128x128xf32, #tpu.memory_space<vmem>>, vector<1x16xf32>,
      %swap3A_56 = arith.index_cast %scan3A_26 : i32 to index
      %swap3A_57 = arith.constant 96 : index
      %swap3A_58 = tpu.vector_load %arg9[%swap3A_56, %swap3A_57] {strides = array<i32>} : memref<128x128xf32, #tpu.memory_space<vmem>>, vector<1x16xf32>,
      %swap3A_59 = vector.shape_cast %swap3A_58 : vector<1x16xf32> to vector<16xf32>
      %swap3A_60 = vector.shape_cast %broadcast_in_dim3A_1 : vector<16xf32> to vector<1x16xf32>
      tpu.vector_store %arg9[%swap3A_56, %swap3A_57], %swap3A_60 {strides = array<i32>} : memref<128x128xf32, #tpu.memory_space<vmem>>, vector<1x16xf32>,
      %swap3A_61 = arith.index_cast %scan3A_26 : i32 to index
      %swap3A_62 = arith.constant 112 : index
      %swap3A_63 = tpu.vector_load %arg9[%swap3A_61, %swap3A_62] {strides = array<i32>} : memref<128x128xf32, #tpu.memory_space<vmem>>, vector<1x16xf32>,
      %swap3A_64 = vector.shape_cast %swap3A_63 : vector<1x16xf32> to vector<16xf32>
      %swap3A_65 = vector.shape_cast %broadcast_in_dim3A_1 : vector<16xf32> to vector<1x16xf32>
      tpu.vector_store %arg9[%swap3A_61, %swap3A_62], %swap3A_65 {strides = array<i32>} : memref<128x128xf32, #tpu.memory_space<vmem>>, vector<1x16xf32>,
    }
    %scan3A_6 = arith.constant 128 : i32
    %mul3A_7 = arith.constant 640 : i32
    %mul3A_8 = arith.muli %arg1, %mul3A_7 : i32
    %add3A_9 = arith.constant 0 : i32
    %add3A_10 = arith.addi %mul3A_8, %add3A_9 : i32
    "tpu.region"() ({
      %run_scoped3A = tpu.sem_alloc : memref<!tpu.dma_semaphore, #tpu.memory_space<semaphore_mem>>
      %dma_start3A = arith.constant 0 : i32
      %dma_start3A_26 = arith.constant 0 : i32
      %dma_start3A_27 = tpu.memref_slice %arg9[%dma_start3A, %dma_start3A_26] : memref<128x128xf32, #tpu.memory_space<vmem>> -> memref<128x128xf32, #tpu.memory_space<vmem>>
      %dma_start3A_28 = arith.constant 0 : i32
      %dma_start3A_29 = tpu.memref_slice %arg10[%add3A_10, %dma_start3A_28] : memref<10240x128xf32, #tpu.memory_space<vmem_shared>> -> memref<128x128xf32, #tpu.memory_space<vmem_shared>>
      %dma_start3A_30 = arith.constant 0 : i32
      %dma_start3A_31 = tpu.memref_slice %arg10[%add3A_10, %dma_start3A_30] : memref<10240x128xf32, #tpu.memory_space<vmem_shared>> -> memref<128x128xf32, #tpu.memory_space<vmem_shared>>
      %dma_start3A_32 = arith.constant 0 : i32
      %dma_start3A_33 = arith.constant 0 : i32
      %dma_start3A_34 = tpu.memref_slice %arg9[%dma_start3A_32, %dma_start3A_33] : memref<128x128xf32, #tpu.memory_space<vmem>> -> memref<128x128xf32, #tpu.memory_space<vmem>>
      tpu.enqueue_dma source(%dma_start3A_34 : memref<128x128xf32, #tpu.memory_space<vmem>>) target(%dma_start3A_31 : memref<128x128xf32, #tpu.memory_space<vmem_shared>>) target_semaphore(%run_scoped3A : memref<!tpu.dma_semaphore, #tpu.memory_space<semaphore_mem>>)
      %dma_wait3A = arith.constant 0 : i32
      %dma_wait3A_35 = arith.constant 0 : i32
      %dma_wait3A_36 = tpu.memref_slice %arg9[%dma_wait3A, %dma_wait3A_35] : memref<128x128xf32, #tpu.memory_space<vmem>> -> memref<128x128xf32, #tpu.memory_space<vmem>>
      %dma_wait3A_37 = arith.constant 0 : i32
      %dma_wait3A_38 = tpu.memref_slice %arg10[%add3A_10, %dma_wait3A_37] : memref<10240x128xf32, #tpu.memory_space<vmem_shared>> -> memref<128x128xf32, #tpu.memory_space<vmem_shared>>
      %dma_wait3A_39 = arith.constant 0 : i32
      %dma_wait3A_40 = tpu.memref_slice %arg10[%add3A_10, %dma_wait3A_39] : memref<10240x128xf32, #tpu.memory_space<vmem_shared>> -> memref<128x128xf32, #tpu.memory_space<vmem_shared>>
      %dma_wait3A_41 = arith.constant 0 : i32
      %dma_wait3A_42 = arith.constant 0 : i32
      %dma_wait3A_43 = tpu.memref_slice %arg9[%dma_wait3A_41, %dma_wait3A_42] : memref<128x128xf32, #tpu.memory_space<vmem>> -> memref<128x128xf32, #tpu.memory_space<vmem>>
      tpu.wait_dma2 semaphore(%run_scoped3A : memref<!tpu.dma_semaphore, #tpu.memory_space<semaphore_mem>>) src(%dma_wait3A_43 : memref<128x128xf32, #tpu.memory_space<vmem>>) dst(%dma_wait3A_40 : memref<128x128xf32, #tpu.memory_space<vmem_shared>>)
      tpu.yield
    }) : () -> ()
    %add3A_11 = arith.constant 128 : i32
    %add3A_12 = arith.addi %mul3A_8, %add3A_11 : i32
    "tpu.region"() ({
      %run_scoped3A = tpu.sem_alloc : memref<!tpu.dma_semaphore, #tpu.memory_space<semaphore_mem>>
      %dma_start3A = arith.constant 0 : i32
      %dma_start3A_26 = arith.constant 0 : i32
      %dma_start3A_27 = tpu.memref_slice %arg9[%dma_start3A, %dma_start3A_26] : memref<128x128xf32, #tpu.memory_space<vmem>> -> memref<128x128xf32, #tpu.memory_space<vmem>>
      %dma_start3A_28 = arith.constant 0 : i32
      %dma_start3A_29 = tpu.memref_slice %arg10[%add3A_12, %dma_start3A_28] : memref<10240x128xf32, #tpu.memory_space<vmem_shared>> -> memref<128x128xf32, #tpu.memory_space<vmem_shared>>
      %dma_start3A_30 = arith.constant 0 : i32
      %dma_start3A_31 = tpu.memref_slice %arg10[%add3A_12, %dma_start3A_30] : memref<10240x128xf32, #tpu.memory_space<vmem_shared>> -> memref<128x128xf32, #tpu.memory_space<vmem_shared>>
      %dma_start3A_32 = arith.constant 0 : i32
      %dma_start3A_33 = arith.constant 0 : i32
      %dma_start3A_34 = tpu.memref_slice %arg9[%dma_start3A_32, %dma_start3A_33] : memref<128x128xf32, #tpu.memory_space<vmem>> -> memref<128x128xf32, #tpu.memory_space<vmem>>
      tpu.enqueue_dma source(%dma_start3A_34 : memref<128x128xf32, #tpu.memory_space<vmem>>) target(%dma_start3A_31 : memref<128x128xf32, #tpu.memory_space<vmem_shared>>) target_semaphore(%run_scoped3A : memref<!tpu.dma_semaphore, #tpu.memory_space<semaphore_mem>>)
      %dma_wait3A = arith.constant 0 : i32
      %dma_wait3A_35 = arith.constant 0 : i32
      %dma_wait3A_36 = tpu.memref_slice %arg9[%dma_wait3A, %dma_wait3A_35] : memref<128x128xf32, #tpu.memory_space<vmem>> -> memref<128x128xf32, #tpu.memory_space<vmem>>
      %dma_wait3A_37 = arith.constant 0 : i32
      %dma_wait3A_38 = tpu.memref_slice %arg10[%add3A_12, %dma_wait3A_37] : memref<10240x128xf32, #tpu.memory_space<vmem_shared>> -> memref<128x128xf32, #tpu.memory_space<vmem_shared>>
      %dma_wait3A_39 = arith.constant 0 : i32
      %dma_wait3A_40 = tpu.memref_slice %arg10[%add3A_12, %dma_wait3A_39] : memref<10240x128xf32, #tpu.memory_space<vmem_shared>> -> memref<128x128xf32, #tpu.memory_space<vmem_shared>>
      %dma_wait3A_41 = arith.constant 0 : i32
      %dma_wait3A_42 = arith.constant 0 : i32
      %dma_wait3A_43 = tpu.memref_slice %arg9[%dma_wait3A_41, %dma_wait3A_42] : memref<128x128xf32, #tpu.memory_space<vmem>> -> memref<128x128xf32, #tpu.memory_space<vmem>>
      tpu.wait_dma2 semaphore(%run_scoped3A : memref<!tpu.dma_semaphore, #tpu.memory_space<semaphore_mem>>) src(%dma_wait3A_43 : memref<128x128xf32, #tpu.memory_space<vmem>>) dst(%dma_wait3A_40 : memref<128x128xf32, #tpu.memory_space<vmem_shared>>)
      tpu.yield
    }) : () -> ()
    %add3A_13 = arith.constant 256 : i32
    %add3A_14 = arith.addi %mul3A_8, %add3A_13 : i32
    "tpu.region"() ({
      %run_scoped3A = tpu.sem_alloc : memref<!tpu.dma_semaphore, #tpu.memory_space<semaphore_mem>>
      %dma_start3A = arith.constant 0 : i32
      %dma_start3A_26 = arith.constant 0 : i32
      %dma_start3A_27 = tpu.memref_slice %arg9[%dma_start3A, %dma_start3A_26] : memref<128x128xf32, #tpu.memory_space<vmem>> -> memref<128x128xf32, #tpu.memory_space<vmem>>
      %dma_start3A_28 = arith.constant 0 : i32
      %dma_start3A_29 = tpu.memref_slice %arg10[%add3A_14, %dma_start3A_28] : memref<10240x128xf32, #tpu.memory_space<vmem_shared>> -> memref<128x128xf32, #tpu.memory_space<vmem_shared>>
      %dma_start3A_30 = arith.constant 0 : i32
      %dma_start3A_31 = tpu.memref_slice %arg10[%add3A_14, %dma_start3A_30] : memref<10240x128xf32, #tpu.memory_space<vmem_shared>> -> memref<128x128xf32, #tpu.memory_space<vmem_shared>>
      %dma_start3A_32 = arith.constant 0 : i32
      %dma_start3A_33 = arith.constant 0 : i32
      %dma_start3A_34 = tpu.memref_slice %arg9[%dma_start3A_32, %dma_start3A_33] : memref<128x128xf32, #tpu.memory_space<vmem>> -> memref<128x128xf32, #tpu.memory_space<vmem>>
      tpu.enqueue_dma source(%dma_start3A_34 : memref<128x128xf32, #tpu.memory_space<vmem>>) target(%dma_start3A_31 : memref<128x128xf32, #tpu.memory_space<vmem_shared>>) target_semaphore(%run_scoped3A : memref<!tpu.dma_semaphore, #tpu.memory_space<semaphore_mem>>)
      %dma_wait3A = arith.constant 0 : i32
      %dma_wait3A_35 = arith.constant 0 : i32
      %dma_wait3A_36 = tpu.memref_slice %arg9[%dma_wait3A, %dma_wait3A_35] : memref<128x128xf32, #tpu.memory_space<vmem>> -> memref<128x128xf32, #tpu.memory_space<vmem>>
      %dma_wait3A_37 = arith.constant 0 : i32
      %dma_wait3A_38 = tpu.memref_slice %arg10[%add3A_14, %dma_wait3A_37] : memref<10240x128xf32, #tpu.memory_space<vmem_shared>> -> memref<128x128xf32, #tpu.memory_space<vmem_shared>>
      %dma_wait3A_39 = arith.constant 0 : i32
      %dma_wait3A_40 = tpu.memref_slice %arg10[%add3A_14, %dma_wait3A_39] : memref<10240x128xf32, #tpu.memory_space<vmem_shared>> -> memref<128x128xf32, #tpu.memory_space<vmem_shared>>
      %dma_wait3A_41 = arith.constant 0 : i32
      %dma_wait3A_42 = arith.constant 0 : i32
      %dma_wait3A_43 = tpu.memref_slice %arg9[%dma_wait3A_41, %dma_wait3A_42] : memref<128x128xf32, #tpu.memory_space<vmem>> -> memref<128x128xf32, #tpu.memory_space<vmem>>
      tpu.wait_dma2 semaphore(%run_scoped3A : memref<!tpu.dma_semaphore, #tpu.memory_space<semaphore_mem>>) src(%dma_wait3A_43 : memref<128x128xf32, #tpu.memory_space<vmem>>) dst(%dma_wait3A_40 : memref<128x128xf32, #tpu.memory_space<vmem_shared>>)
      tpu.yield
    }) : () -> ()
    %add3A_15 = arith.constant 384 : i32
    %add3A_16 = arith.addi %mul3A_8, %add3A_15 : i32
    "tpu.region"() ({
      %run_scoped3A = tpu.sem_alloc : memref<!tpu.dma_semaphore, #tpu.memory_space<semaphore_mem>>
      %dma_start3A = arith.constant 0 : i32
      %dma_start3A_26 = arith.constant 0 : i32
      %dma_start3A_27 = tpu.memref_slice %arg9[%dma_start3A, %dma_start3A_26] : memref<128x128xf32, #tpu.memory_space<vmem>> -> memref<128x128xf32, #tpu.memory_space<vmem>>
      %dma_start3A_28 = arith.constant 0 : i32
      %dma_start3A_29 = tpu.memref_slice %arg10[%add3A_16, %dma_start3A_28] : memref<10240x128xf32, #tpu.memory_space<vmem_shared>> -> memref<128x128xf32, #tpu.memory_space<vmem_shared>>
      %dma_start3A_30 = arith.constant 0 : i32
      %dma_start3A_31 = tpu.memref_slice %arg10[%add3A_16, %dma_start3A_30] : memref<10240x128xf32, #tpu.memory_space<vmem_shared>> -> memref<128x128xf32, #tpu.memory_space<vmem_shared>>
      %dma_start3A_32 = arith.constant 0 : i32
      %dma_start3A_33 = arith.constant 0 : i32
      %dma_start3A_34 = tpu.memref_slice %arg9[%dma_start3A_32, %dma_start3A_33] : memref<128x128xf32, #tpu.memory_space<vmem>> -> memref<128x128xf32, #tpu.memory_space<vmem>>
      tpu.enqueue_dma source(%dma_start3A_34 : memref<128x128xf32, #tpu.memory_space<vmem>>) target(%dma_start3A_31 : memref<128x128xf32, #tpu.memory_space<vmem_shared>>) target_semaphore(%run_scoped3A : memref<!tpu.dma_semaphore, #tpu.memory_space<semaphore_mem>>)
      %dma_wait3A = arith.constant 0 : i32
      %dma_wait3A_35 = arith.constant 0 : i32
      %dma_wait3A_36 = tpu.memref_slice %arg9[%dma_wait3A, %dma_wait3A_35] : memref<128x128xf32, #tpu.memory_space<vmem>> -> memref<128x128xf32, #tpu.memory_space<vmem>>
      %dma_wait3A_37 = arith.constant 0 : i32
      %dma_wait3A_38 = tpu.memref_slice %arg10[%add3A_16, %dma_wait3A_37] : memref<10240x128xf32, #tpu.memory_space<vmem_shared>> -> memref<128x128xf32, #tpu.memory_space<vmem_shared>>
      %dma_wait3A_39 = arith.constant 0 : i32
      %dma_wait3A_40 = tpu.memref_slice %arg10[%add3A_16, %dma_wait3A_39] : memref<10240x128xf32, #tpu.memory_space<vmem_shared>> -> memref<128x128xf32, #tpu.memory_space<vmem_shared>>
      %dma_wait3A_41 = arith.constant 0 : i32
      %dma_wait3A_42 = arith.constant 0 : i32
      %dma_wait3A_43 = tpu.memref_slice %arg9[%dma_wait3A_41, %dma_wait3A_42] : memref<128x128xf32, #tpu.memory_space<vmem>> -> memref<128x128xf32, #tpu.memory_space<vmem>>
      tpu.wait_dma2 semaphore(%run_scoped3A : memref<!tpu.dma_semaphore, #tpu.memory_space<semaphore_mem>>) src(%dma_wait3A_43 : memref<128x128xf32, #tpu.memory_space<vmem>>) dst(%dma_wait3A_40 : memref<128x128xf32, #tpu.memory_space<vmem_shared>>)
      tpu.yield
    }) : () -> ()
    %add3A_17 = arith.constant 512 : i32
    %add3A_18 = arith.addi %mul3A_8, %add3A_17 : i32
    "tpu.region"() ({
      %run_scoped3A = tpu.sem_alloc : memref<!tpu.dma_semaphore, #tpu.memory_space<semaphore_mem>>
      %dma_start3A = arith.constant 0 : i32
      %dma_start3A_26 = arith.constant 0 : i32
      %dma_start3A_27 = tpu.memref_slice %arg9[%dma_start3A, %dma_start3A_26] : memref<128x128xf32, #tpu.memory_space<vmem>> -> memref<128x128xf32, #tpu.memory_space<vmem>>
      %dma_start3A_28 = arith.constant 0 : i32
      %dma_start3A_29 = tpu.memref_slice %arg10[%add3A_18, %dma_start3A_28] : memref<10240x128xf32, #tpu.memory_space<vmem_shared>> -> memref<128x128xf32, #tpu.memory_space<vmem_shared>>
      %dma_start3A_30 = arith.constant 0 : i32
      %dma_start3A_31 = tpu.memref_slice %arg10[%add3A_18, %dma_start3A_30] : memref<10240x128xf32, #tpu.memory_space<vmem_shared>> -> memref<128x128xf32, #tpu.memory_space<vmem_shared>>
      %dma_start3A_32 = arith.constant 0 : i32
      %dma_start3A_33 = arith.constant 0 : i32
      %dma_start3A_34 = tpu.memref_slice %arg9[%dma_start3A_32, %dma_start3A_33] : memref<128x128xf32, #tpu.memory_space<vmem>> -> memref<128x128xf32, #tpu.memory_space<vmem>>
      tpu.enqueue_dma source(%dma_start3A_34 : memref<128x128xf32, #tpu.memory_space<vmem>>) target(%dma_start3A_31 : memref<128x128xf32, #tpu.memory_space<vmem_shared>>) target_semaphore(%run_scoped3A : memref<!tpu.dma_semaphore, #tpu.memory_space<semaphore_mem>>)
      %dma_wait3A = arith.constant 0 : i32
      %dma_wait3A_35 = arith.constant 0 : i32
      %dma_wait3A_36 = tpu.memref_slice %arg9[%dma_wait3A, %dma_wait3A_35] : memref<128x128xf32, #tpu.memory_space<vmem>> -> memref<128x128xf32, #tpu.memory_space<vmem>>
      %dma_wait3A_37 = arith.constant 0 : i32
      %dma_wait3A_38 = tpu.memref_slice %arg10[%add3A_18, %dma_wait3A_37] : memref<10240x128xf32, #tpu.memory_space<vmem_shared>> -> memref<128x128xf32, #tpu.memory_space<vmem_shared>>
      %dma_wait3A_39 = arith.constant 0 : i32
      %dma_wait3A_40 = tpu.memref_slice %arg10[%add3A_18, %dma_wait3A_39] : memref<10240x128xf32, #tpu.memory_space<vmem_shared>> -> memref<128x128xf32, #tpu.memory_space<vmem_shared>>
      %dma_wait3A_41 = arith.constant 0 : i32
      %dma_wait3A_42 = arith.constant 0 : i32
      %dma_wait3A_43 = tpu.memref_slice %arg9[%dma_wait3A_41, %dma_wait3A_42] : memref<128x128xf32, #tpu.memory_space<vmem>> -> memref<128x128xf32, #tpu.memory_space<vmem>>
      tpu.wait_dma2 semaphore(%run_scoped3A : memref<!tpu.dma_semaphore, #tpu.memory_space<semaphore_mem>>) src(%dma_wait3A_43 : memref<128x128xf32, #tpu.memory_space<vmem>>) dst(%dma_wait3A_40 : memref<128x128xf32, #tpu.memory_space<vmem_shared>>)
      tpu.yield
    }) : () -> ()
    %barrier3A = arith.constant 0 : index
    tpu.barrier barrier_id(%barrier3A)
    %scan3A_19 = arith.constant 0 : i32
    %scan3A_20 = arith.constant 0 : i32
    %scan3A_21 = arith.constant 79 : i32
    %scan3A_22 = arith.addi %scan3A_20, %scan3A_21 : i32
    %scan3A_23 = arith.constant 1 : i32
    scf.for %scan3A_26 = %scan3A_20 to %scan3A_22 step %scan3A_23  : i32 {
      %mul3A_27 = arith.constant 32 : i32
      %mul3A_28 = arith.muli %scan3A_26, %mul3A_27 : i32
      %add3A_29 = arith.addi %mul3A_28, %add3A : i32
      %lt3A = arith.constant 2500 : i32
      %lt3A_30 = arith.cmpi slt, %add3A_29, %lt3A : i32
      %convert_element_type3A = arith.extui %lt3A_30 : i1 to i32
      %cond3A = arith.constant 0 : i32
      %cond3A_31 = arith.cmpi ne, %convert_element_type3A, %cond3A : i32
      scf.if %cond3A_31 {
        %mul3A_32 = arith.constant 128 : i32
        %mul3A_33 = arith.muli %add3A_29, %mul3A_32 : i32
        %run_scoped3A = arith.constant 0 : i32
        "tpu.region"() ({
          %run_scoped3A_48 = tpu.sem_alloc : memref<!tpu.dma_semaphore, #tpu.memory_space<semaphore_mem>>
          %dma_start3A_49 = arith.constant 0 : i32
          %dma_start3A_50 = tpu.memref_slice %arg6[%run_scoped3A, %dma_start3A_49] : memref<1x128xi32, #tpu.memory_space<vmem>> -> memref<1x128xi32, #tpu.memory_space<vmem>>
          %dma_start3A_51 = tpu.memref_squeeze %dma_start3A_50 : memref<1x128xi32, #tpu.memory_space<vmem>> -> memref<128xi32, #tpu.memory_space<vmem>>
          %dma_start3A_52 = tpu.memref_slice %arg2[%mul3A_33] : memref<320000xi32, #tpu.memory_space<hbm>> -> memref<128xi32, #tpu.memory_space<hbm>>
          %dma_start3A_53 = arith.constant 0 : i32
          %dma_start3A_54 = tpu.memref_slice %arg6[%run_scoped3A, %dma_start3A_53] : memref<1x128xi32, #tpu.memory_space<vmem>> -> memref<1x128xi32, #tpu.memory_space<vmem>>
          %dma_start3A_55 = tpu.memref_squeeze %dma_start3A_54 : memref<1x128xi32, #tpu.memory_space<vmem>> -> memref<128xi32, #tpu.memory_space<vmem>>
          %dma_start3A_56 = tpu.memref_slice %arg2[%mul3A_33] : memref<320000xi32, #tpu.memory_space<hbm>> -> memref<128xi32, #tpu.memory_space<hbm>>
          tpu.enqueue_dma source(%dma_start3A_56 : memref<128xi32, #tpu.memory_space<hbm>>) target(%dma_start3A_55 : memref<128xi32, #tpu.memory_space<vmem>>) target_semaphore(%run_scoped3A_48 : memref<!tpu.dma_semaphore, #tpu.memory_space<semaphore_mem>>)
          %dma_wait3A_57 = arith.constant 0 : i32
          %dma_wait3A_58 = tpu.memref_slice %arg6[%run_scoped3A, %dma_wait3A_57] : memref<1x128xi32, #tpu.memory_space<vmem>> -> memref<1x128xi32, #tpu.memory_space<vmem>>
          %dma_wait3A_59 = tpu.memref_squeeze %dma_wait3A_58 : memref<1x128xi32, #tpu.memory_space<vmem>> -> memref<128xi32, #tpu.memory_space<vmem>>
          %dma_wait3A_60 = tpu.memref_slice %arg2[%mul3A_33] : memref<320000xi32, #tpu.memory_space<hbm>> -> memref<128xi32, #tpu.memory_space<hbm>>
          %dma_wait3A_61 = arith.constant 0 : i32
          %dma_wait3A_62 = tpu.memref_slice %arg6[%run_scoped3A, %dma_wait3A_61] : memref<1x128xi32, #tpu.memory_space<vmem>> -> memref<1x128xi32, #tpu.memory_space<vmem>>
          %dma_wait3A_63 = tpu.memref_squeeze %dma_wait3A_62 : memref<1x128xi32, #tpu.memory_space<vmem>> -> memref<128xi32, #tpu.memory_space<vmem>>
          %dma_wait3A_64 = tpu.memref_slice %arg2[%mul3A_33] : memref<320000xi32, #tpu.memory_space<hbm>> -> memref<128xi32, #tpu.memory_space<hbm>>
          tpu.wait_dma2 semaphore(%run_scoped3A_48 : memref<!tpu.dma_semaphore, #tpu.memory_space<semaphore_mem>>) src(%dma_wait3A_64 : memref<128xi32, #tpu.memory_space<hbm>>) dst(%dma_wait3A_63 : memref<128xi32, #tpu.memory_space<vmem>>)
          tpu.yield
        }) : () -> ()
        %run_scoped3A_34 = arith.constant 0 : i32
        "tpu.region"() ({
          %run_scoped3A_48 = tpu.sem_alloc : memref<!tpu.dma_semaphore, #tpu.memory_space<semaphore_mem>>
          %dma_start3A_49 = arith.constant 0 : i32
          %dma_start3A_50 = tpu.memref_slice %arg7[%run_scoped3A_34, %dma_start3A_49] : memref<1x128xi32, #tpu.memory_space<vmem>> -> memref<1x128xi32, #tpu.memory_space<vmem>>
          %dma_start3A_51 = tpu.memref_squeeze %dma_start3A_50 : memref<1x128xi32, #tpu.memory_space<vmem>> -> memref<128xi32, #tpu.memory_space<vmem>>
          %dma_start3A_52 = tpu.memref_slice %arg3[%mul3A_33] : memref<320000xi32, #tpu.memory_space<hbm>> -> memref<128xi32, #tpu.memory_space<hbm>>
          %dma_start3A_53 = arith.constant 0 : i32
          %dma_start3A_54 = tpu.memref_slice %arg7[%run_scoped3A_34, %dma_start3A_53] : memref<1x128xi32, #tpu.memory_space<vmem>> -> memref<1x128xi32, #tpu.memory_space<vmem>>
          %dma_start3A_55 = tpu.memref_squeeze %dma_start3A_54 : memref<1x128xi32, #tpu.memory_space<vmem>> -> memref<128xi32, #tpu.memory_space<vmem>>
          %dma_start3A_56 = tpu.memref_slice %arg3[%mul3A_33] : memref<320000xi32, #tpu.memory_space<hbm>> -> memref<128xi32, #tpu.memory_space<hbm>>
          tpu.enqueue_dma source(%dma_start3A_56 : memref<128xi32, #tpu.memory_space<hbm>>) target(%dma_start3A_55 : memref<128xi32, #tpu.memory_space<vmem>>) target_semaphore(%run_scoped3A_48 : memref<!tpu.dma_semaphore, #tpu.memory_space<semaphore_mem>>)
          %dma_wait3A_57 = arith.constant 0 : i32
          %dma_wait3A_58 = tpu.memref_slice %arg7[%run_scoped3A_34, %dma_wait3A_57] : memref<1x128xi32, #tpu.memory_space<vmem>> -> memref<1x128xi32, #tpu.memory_space<vmem>>
          %dma_wait3A_59 = tpu.memref_squeeze %dma_wait3A_58 : memref<1x128xi32, #tpu.memory_space<vmem>> -> memref<128xi32, #tpu.memory_space<vmem>>
          %dma_wait3A_60 = tpu.memref_slice %arg3[%mul3A_33] : memref<320000xi32, #tpu.memory_space<hbm>> -> memref<128xi32, #tpu.memory_space<hbm>>
          %dma_wait3A_61 = arith.constant 0 : i32
          %dma_wait3A_62 = tpu.memref_slice %arg7[%run_scoped3A_34, %dma_wait3A_61] : memref<1x128xi32, #tpu.memory_space<vmem>> -> memref<1x128xi32, #tpu.memory_space<vmem>>
          %dma_wait3A_63 = tpu.memref_squeeze %dma_wait3A_62 : memref<1x128xi32, #tpu.memory_space<vmem>> -> memref<128xi32, #tpu.memory_space<vmem>>
          %dma_wait3A_64 = tpu.memref_slice %arg3[%mul3A_33] : memref<320000xi32, #tpu.memory_space<hbm>> -> memref<128xi32, #tpu.memory_space<hbm>>
          tpu.wait_dma2 semaphore(%run_scoped3A_48 : memref<!tpu.dma_semaphore, #tpu.memory_space<semaphore_mem>>) src(%dma_wait3A_64 : memref<128xi32, #tpu.memory_space<hbm>>) dst(%dma_wait3A_63 : memref<128xi32, #tpu.memory_space<vmem>>)
          tpu.yield
        }) : () -> ()
        %dma_start3A = arith.constant 0 : i32
        %dma_start3A_35 = arith.constant 0 : i32
        %dma_start3A_36 = tpu.memref_slice %arg6[%dma_start3A, %dma_start3A_35] : memref<1x128xi32, #tpu.memory_space<vmem>> -> memref<1x128xi32, #tpu.memory_space<vmem>>
        %dma_start3A_37 = tpu.memref_squeeze %dma_start3A_36 : memref<1x128xi32, #tpu.memory_space<vmem>> -> memref<128xi32, #tpu.memory_space<vmem>>
        %dma_start3A_38 = arith.constant 0 : i32
        %dma_start3A_39 = arith.constant 0 : i32
        %dma_start3A_40 = tpu.memref_slice %arg4[%dma_start3A_38, %dma_start3A_39] : memref<10000x128xf32, #tpu.memory_space<hbm>> -> memref<10000x128xf32, #tpu.memory_space<hbm>>
        tpu.enqueue_indirect_dma source(%dma_start3A_40 : memref<10000x128xf32, #tpu.memory_space<hbm>>) target(%arg8 : memref<128x128xf32, #tpu.memory_space<vmem>>) offsets(%dma_start3A_37 : memref<128xi32, #tpu.memory_space<vmem>>) semaphore(%arg11 : memref<!tpu.dma_semaphore, #tpu.memory_space<semaphore_mem>>)
        %dma_wait3A = arith.constant 0 : i32
        %dma_wait3A_41 = arith.constant 0 : i32
        %dma_wait3A_42 = tpu.memref_slice %arg6[%dma_wait3A, %dma_wait3A_41] : memref<1x128xi32, #tpu.memory_space<vmem>> -> memref<1x128xi32, #tpu.memory_space<vmem>>
        %dma_wait3A_43 = tpu.memref_squeeze %dma_wait3A_42 : memref<1x128xi32, #tpu.memory_space<vmem>> -> memref<128xi32, #tpu.memory_space<vmem>>
        %dma_wait3A_44 = arith.constant 0 : i32
        %dma_wait3A_45 = arith.constant 0 : i32
        %dma_wait3A_46 = tpu.memref_slice %arg4[%dma_wait3A_44, %dma_wait3A_45] : memref<10000x128xf32, #tpu.memory_space<hbm>> -> memref<10000x128xf32, #tpu.memory_space<hbm>>
        tpu.wait_indirect_dma semaphore(%arg11 : memref<!tpu.dma_semaphore, #tpu.memory_space<semaphore_mem>>) src(%dma_wait3A_46 : memref<10000x128xf32, #tpu.memory_space<hbm>>) dst(%arg8 : memref<128x128xf32, #tpu.memory_space<vmem>>)
        %run_scoped3A_47 = arith.constant 0 : i32
        "tpu.region"() ({
          %run_scoped3A_48 = tpu.sem_alloc : memref<!tpu.dma_semaphore, #tpu.memory_space<semaphore_mem>>
          %dma_start3A_49 = arith.constant 0 : i32
          %dma_start3A_50 = tpu.memref_slice %arg7[%run_scoped3A_47, %dma_start3A_49] : memref<1x128xi32, #tpu.memory_space<vmem>> -> memref<1x128xi32, #tpu.memory_space<vmem>>
          %dma_start3A_51 = tpu.memref_squeeze %dma_start3A_50 : memref<1x128xi32, #tpu.memory_space<vmem>> -> memref<128xi32, #tpu.memory_space<vmem>>
          %dma_start3A_52 = arith.constant 0 : i32
          %dma_start3A_53 = arith.constant 0 : i32
          %dma_start3A_54 = tpu.memref_slice %arg10[%dma_start3A_52, %dma_start3A_53] : memref<10240x128xf32, #tpu.memory_space<vmem_shared>> -> memref<10240x128xf32, #tpu.memory_space<vmem_shared>>
          tpu.enqueue_indirect_dma source(%arg8 : memref<128x128xf32, #tpu.memory_space<vmem>>) target(%dma_start3A_54 : memref<10240x128xf32, #tpu.memory_space<vmem_shared>>) offsets(%dma_start3A_51 : memref<128xi32, #tpu.memory_space<vmem>>) semaphore(%run_scoped3A_48 : memref<!tpu.dma_semaphore, #tpu.memory_space<semaphore_mem>>) {add = true}
          %dma_wait3A_55 = arith.constant 0 : i32
          %dma_wait3A_56 = tpu.memref_slice %arg7[%run_scoped3A_47, %dma_wait3A_55] : memref<1x128xi32, #tpu.memory_space<vmem>> -> memref<1x128xi32, #tpu.memory_space<vmem>>
          %dma_wait3A_57 = tpu.memref_squeeze %dma_wait3A_56 : memref<1x128xi32, #tpu.memory_space<vmem>> -> memref<128xi32, #tpu.memory_space<vmem>>
          %dma_wait3A_58 = arith.constant 0 : i32
          %dma_wait3A_59 = arith.constant 0 : i32
          %dma_wait3A_60 = tpu.memref_slice %arg10[%dma_wait3A_58, %dma_wait3A_59] : memref<10240x128xf32, #tpu.memory_space<vmem_shared>> -> memref<10240x128xf32, #tpu.memory_space<vmem_shared>>
          tpu.wait_indirect_dma semaphore(%run_scoped3A_48 : memref<!tpu.dma_semaphore, #tpu.memory_space<semaphore_mem>>) src(%arg8 : memref<128x128xf32, #tpu.memory_space<vmem>>) dst(%dma_wait3A_60 : memref<10240x128xf32, #tpu.memory_space<vmem_shared>>)
          tpu.yield
        }) : () -> ()
      } else {
      }
    }
    %scan3A_24 = arith.constant 79 : i32
    %barrier3A_25 = arith.constant 0 : index
    tpu.barrier barrier_id(%barrier3A_25)
    "tpu.region"() ({
      %run_scoped3A = tpu.sem_alloc : memref<!tpu.dma_semaphore, #tpu.memory_space<semaphore_mem>>
      %dma_start3A = arith.constant 0 : i32
      %dma_start3A_26 = tpu.memref_slice %arg5[%arg0, %mul3A_8, %dma_start3A] : memref<2x10240x128xf32, #tpu.memory_space<hbm>> -> memref<1x640x128xf32, #tpu.memory_space<hbm>>
      %dma_start3A_27 = tpu.memref_squeeze %dma_start3A_26 : memref<1x640x128xf32, #tpu.memory_space<hbm>> -> memref<640x128xf32, #tpu.memory_space<hbm>>
      %dma_start3A_28 = arith.constant 0 : i32
      %dma_start3A_29 = tpu.memref_slice %arg10[%mul3A_8, %dma_start3A_28] : memref<10240x128xf32, #tpu.memory_space<vmem_shared>> -> memref<640x128xf32, #tpu.memory_space<vmem_shared>>
      tpu.enqueue_dma source(%dma_start3A_29 : memref<640x128xf32, #tpu.memory_space<vmem_shared>>) target(%dma_start3A_27 : memref<640x128xf32, #tpu.memory_space<hbm>>) target_semaphore(%run_scoped3A : memref<!tpu.dma_semaphore, #tpu.memory_space<semaphore_mem>>)
      %dma_wait3A = arith.constant 0 : i32
      %dma_wait3A_30 = tpu.memref_slice %arg5[%arg0, %mul3A_8, %dma_wait3A] : memref<2x10240x128xf32, #tpu.memory_space<hbm>> -> memref<1x640x128xf32, #tpu.memory_space<hbm>>
      %dma_wait3A_31 = tpu.memref_squeeze %dma_wait3A_30 : memref<1x640x128xf32, #tpu.memory_space<hbm>> -> memref<640x128xf32, #tpu.memory_space<hbm>>
      %dma_wait3A_32 = arith.constant 0 : i32
      %dma_wait3A_33 = tpu.memref_slice %arg10[%mul3A_8, %dma_wait3A_32] : memref<10240x128xf32, #tpu.memory_space<vmem_shared>> -> memref<640x128xf32, #tpu.memory_space<vmem_shared>>
      tpu.wait_dma2 semaphore(%run_scoped3A : memref<!tpu.dma_semaphore, #tpu.memory_space<semaphore_mem>>) src(%dma_wait3A_33 : memref<640x128xf32, #tpu.memory_space<vmem_shared>>) dst(%dma_wait3A_31 : memref<640x128xf32, #tpu.memory_space<hbm>>)
      tpu.yield
    }) : () -> ()
    return
  }
}

#map = affine_map<(d0, d1) -> (0)>
#map1 = affine_map<(d0, d1) -> (0, 0)>
#map2 = affine_map<(d0, d1) -> (0, 0, 0)>
module attributes {stable_mosaic.version = 14 : i64} {
  func.func @_spmm_body(%arg0: i32, %arg1: i32, %arg2: memref<320000xi32, #tpu.memory_space<hbm>>, %arg3: memref<320000xi32, #tpu.memory_space<hbm>>, %arg4: memref<10000x128xf32, #tpu.memory_space<hbm>>, %arg5: memref<2x10240x128xf32, #tpu.memory_space<hbm>>, %arg6: memref<1x128xi32, #tpu.memory_space<vmem>>, %arg7: memref<1x128xi32, #tpu.memory_space<vmem>>, %arg8: memref<128x128xf32, #tpu.memory_space<vmem>>, %arg9: memref<128x128xf32, #tpu.memory_space<vmem>>, %arg10: memref<10240x128xf32, #tpu.memory_space<vmem_shared>>, %arg11: memref<!tpu.dma_semaphore, #tpu.memory_space<semaphore_mem>>) attributes {dimension_semantics = [#tpu.dimension_semantics<core_parallel>, #tpu.dimension_semantics<subcore_parallel>], iteration_bounds = array<i64: 2, 16>, scalar_prefetch = 0 : i64, scratch_operands = 6 : i64, tpu.core_type = #tpu.core_type<sc_vector_subcore>, window_params = [{transform_indices = #map}, {transform_indices = #map}, {transform_indices = #map1}, {transform_indices = #map2}]} {
    %mul3A = arith.constant 16 : i32
    %mul3A_0 = arith.muli %arg0, %mul3A : i32
    %add3A = arith.addi %mul3A_0, %arg1 : i32
    %broadcast_in_dim3A = arith.constant 0.000000e+00 : f32
    %broadcast_in_dim3A_1 = vector.broadcast %broadcast_in_dim3A : f32 to vector<16xf32>
    %scan3A = arith.constant 0 : i32
    %scan3A_2 = arith.constant 0 : i32
    %scan3A_3 = arith.constant 128 : i32
    %scan3A_4 = arith.addi %scan3A_2, %scan3A_3 : i32
    %scan3A_5 = arith.constant 1 : i32
    scf.for %scan3A_26 = %scan3A_2 to %scan3A_4 step %scan3A_5  : i32 {
      %swap3A = arith.index_cast %scan3A_26 : i32 to index
      %swap3A_27 = arith.constant 0 : index
      %swap3A_28 = tpu.vector_load %arg9[%swap3A, %swap3A_27] {strides = array<i32>} : memref<128x128xf32, #tpu.memory_space<vmem>>, vector<1x16xf32>,
      %swap3A_29 = vector.shape_cast %swap3A_28 : vector<1x16xf32> to vector<16xf32>
      %swap3A_30 = vector.shape_cast %broadcast_in_dim3A_1 : vector<16xf32> to vector<1x16xf32>
      tpu.vector_store %arg9[%swap3A, %swap3A_27], %swap3A_30 {strides = array<i32>} : memref<128x128xf32, #tpu.memory_space<vmem>>, vector<1x16xf32>,
      %swap3A_31 = arith.index_cast %scan3A_26 : i32 to index
      %swap3A_32 = arith.constant 16 : index
      %swap3A_33 = tpu.vector_load %arg9[%swap3A_31, %swap3A_32] {strides = array<i32>} : memref<128x128xf32, #tpu.memory_space<vmem>>, vector<1x16xf32>,
      %swap3A_34 = vector.shape_cast %swap3A_33 : vector<1x16xf32> to vector<16xf32>
      %swap3A_35 = vector.shape_cast %broadcast_in_dim3A_1 : vector<16xf32> to vector<1x16xf32>
      tpu.vector_store %arg9[%swap3A_31, %swap3A_32], %swap3A_35 {strides = array<i32>} : memref<128x128xf32, #tpu.memory_space<vmem>>, vector<1x16xf32>,
      %swap3A_36 = arith.index_cast %scan3A_26 : i32 to index
      %swap3A_37 = arith.constant 32 : index
      %swap3A_38 = tpu.vector_load %arg9[%swap3A_36, %swap3A_37] {strides = array<i32>} : memref<128x128xf32, #tpu.memory_space<vmem>>, vector<1x16xf32>,
      %swap3A_39 = vector.shape_cast %swap3A_38 : vector<1x16xf32> to vector<16xf32>
      %swap3A_40 = vector.shape_cast %broadcast_in_dim3A_1 : vector<16xf32> to vector<1x16xf32>
      tpu.vector_store %arg9[%swap3A_36, %swap3A_37], %swap3A_40 {strides = array<i32>} : memref<128x128xf32, #tpu.memory_space<vmem>>, vector<1x16xf32>,
      %swap3A_41 = arith.index_cast %scan3A_26 : i32 to index
      %swap3A_42 = arith.constant 48 : index
      %swap3A_43 = tpu.vector_load %arg9[%swap3A_41, %swap3A_42] {strides = array<i32>} : memref<128x128xf32, #tpu.memory_space<vmem>>, vector<1x16xf32>,
      %swap3A_44 = vector.shape_cast %swap3A_43 : vector<1x16xf32> to vector<16xf32>
      %swap3A_45 = vector.shape_cast %broadcast_in_dim3A_1 : vector<16xf32> to vector<1x16xf32>
      tpu.vector_store %arg9[%swap3A_41, %swap3A_42], %swap3A_45 {strides = array<i32>} : memref<128x128xf32, #tpu.memory_space<vmem>>, vector<1x16xf32>,
      %swap3A_46 = arith.index_cast %scan3A_26 : i32 to index
      %swap3A_47 = arith.constant 64 : index
      %swap3A_48 = tpu.vector_load %arg9[%swap3A_46, %swap3A_47] {strides = array<i32>} : memref<128x128xf32, #tpu.memory_space<vmem>>, vector<1x16xf32>,
      %swap3A_49 = vector.shape_cast %swap3A_48 : vector<1x16xf32> to vector<16xf32>
      %swap3A_50 = vector.shape_cast %broadcast_in_dim3A_1 : vector<16xf32> to vector<1x16xf32>
      tpu.vector_store %arg9[%swap3A_46, %swap3A_47], %swap3A_50 {strides = array<i32>} : memref<128x128xf32, #tpu.memory_space<vmem>>, vector<1x16xf32>,
      %swap3A_51 = arith.index_cast %scan3A_26 : i32 to index
      %swap3A_52 = arith.constant 80 : index
      %swap3A_53 = tpu.vector_load %arg9[%swap3A_51, %swap3A_52] {strides = array<i32>} : memref<128x128xf32, #tpu.memory_space<vmem>>, vector<1x16xf32>,
      %swap3A_54 = vector.shape_cast %swap3A_53 : vector<1x16xf32> to vector<16xf32>
      %swap3A_55 = vector.shape_cast %broadcast_in_dim3A_1 : vector<16xf32> to vector<1x16xf32>
      tpu.vector_store %arg9[%swap3A_51, %swap3A_52], %swap3A_55 {strides = array<i32>} : memref<128x128xf32, #tpu.memory_space<vmem>>, vector<1x16xf32>,
      %swap3A_56 = arith.index_cast %scan3A_26 : i32 to index
      %swap3A_57 = arith.constant 96 : index
      %swap3A_58 = tpu.vector_load %arg9[%swap3A_56, %swap3A_57] {strides = array<i32>} : memref<128x128xf32, #tpu.memory_space<vmem>>, vector<1x16xf32>,
      %swap3A_59 = vector.shape_cast %swap3A_58 : vector<1x16xf32> to vector<16xf32>
      %swap3A_60 = vector.shape_cast %broadcast_in_dim3A_1 : vector<16xf32> to vector<1x16xf32>
      tpu.vector_store %arg9[%swap3A_56, %swap3A_57], %swap3A_60 {strides = array<i32>} : memref<128x128xf32, #tpu.memory_space<vmem>>, vector<1x16xf32>,
      %swap3A_61 = arith.index_cast %scan3A_26 : i32 to index
      %swap3A_62 = arith.constant 112 : index
      %swap3A_63 = tpu.vector_load %arg9[%swap3A_61, %swap3A_62] {strides = array<i32>} : memref<128x128xf32, #tpu.memory_space<vmem>>, vector<1x16xf32>,
      %swap3A_64 = vector.shape_cast %swap3A_63 : vector<1x16xf32> to vector<16xf32>
      %swap3A_65 = vector.shape_cast %broadcast_in_dim3A_1 : vector<16xf32> to vector<1x16xf32>
      tpu.vector_store %arg9[%swap3A_61, %swap3A_62], %swap3A_65 {strides = array<i32>} : memref<128x128xf32, #tpu.memory_space<vmem>>, vector<1x16xf32>,
    }
    %scan3A_6 = arith.constant 128 : i32
    %mul3A_7 = arith.constant 640 : i32
    %mul3A_8 = arith.muli %arg1, %mul3A_7 : i32
    %add3A_9 = arith.constant 0 : i32
    %add3A_10 = arith.addi %mul3A_8, %add3A_9 : i32
    "tpu.region"() ({
      %run_scoped3A = tpu.sem_alloc : memref<!tpu.dma_semaphore, #tpu.memory_space<semaphore_mem>>
      %dma_start3A = arith.constant 0 : i32
      %dma_start3A_26 = arith.constant 0 : i32
      %dma_start3A_27 = tpu.memref_slice %arg9[%dma_start3A, %dma_start3A_26] : memref<128x128xf32, #tpu.memory_space<vmem>> -> memref<128x128xf32, #tpu.memory_space<vmem>>
      %dma_start3A_28 = arith.constant 0 : i32
      %dma_start3A_29 = tpu.memref_slice %arg10[%add3A_10, %dma_start3A_28] : memref<10240x128xf32, #tpu.memory_space<vmem_shared>> -> memref<128x128xf32, #tpu.memory_space<vmem_shared>>
      %dma_start3A_30 = arith.constant 0 : i32
      %dma_start3A_31 = tpu.memref_slice %arg10[%add3A_10, %dma_start3A_30] : memref<10240x128xf32, #tpu.memory_space<vmem_shared>> -> memref<128x128xf32, #tpu.memory_space<vmem_shared>>
      %dma_start3A_32 = arith.constant 0 : i32
      %dma_start3A_33 = arith.constant 0 : i32
      %dma_start3A_34 = tpu.memref_slice %arg9[%dma_start3A_32, %dma_start3A_33] : memref<128x128xf32, #tpu.memory_space<vmem>> -> memref<128x128xf32, #tpu.memory_space<vmem>>
      tpu.enqueue_dma source(%dma_start3A_34 : memref<128x128xf32, #tpu.memory_space<vmem>>) target(%dma_start3A_31 : memref<128x128xf32, #tpu.memory_space<vmem_shared>>) target_semaphore(%run_scoped3A : memref<!tpu.dma_semaphore, #tpu.memory_space<semaphore_mem>>)
      %dma_wait3A = arith.constant 0 : i32
      %dma_wait3A_35 = arith.constant 0 : i32
      %dma_wait3A_36 = tpu.memref_slice %arg9[%dma_wait3A, %dma_wait3A_35] : memref<128x128xf32, #tpu.memory_space<vmem>> -> memref<128x128xf32, #tpu.memory_space<vmem>>
      %dma_wait3A_37 = arith.constant 0 : i32
      %dma_wait3A_38 = tpu.memref_slice %arg10[%add3A_10, %dma_wait3A_37] : memref<10240x128xf32, #tpu.memory_space<vmem_shared>> -> memref<128x128xf32, #tpu.memory_space<vmem_shared>>
      %dma_wait3A_39 = arith.constant 0 : i32
      %dma_wait3A_40 = tpu.memref_slice %arg10[%add3A_10, %dma_wait3A_39] : memref<10240x128xf32, #tpu.memory_space<vmem_shared>> -> memref<128x128xf32, #tpu.memory_space<vmem_shared>>
      %dma_wait3A_41 = arith.constant 0 : i32
      %dma_wait3A_42 = arith.constant 0 : i32
      %dma_wait3A_43 = tpu.memref_slice %arg9[%dma_wait3A_41, %dma_wait3A_42] : memref<128x128xf32, #tpu.memory_space<vmem>> -> memref<128x128xf32, #tpu.memory_space<vmem>>
      tpu.wait_dma2 semaphore(%run_scoped3A : memref<!tpu.dma_semaphore, #tpu.memory_space<semaphore_mem>>) src(%dma_wait3A_43 : memref<128x128xf32, #tpu.memory_space<vmem>>) dst(%dma_wait3A_40 : memref<128x128xf32, #tpu.memory_space<vmem_shared>>)
      tpu.yield
    }) : () -> ()
    %add3A_11 = arith.constant 128 : i32
    %add3A_12 = arith.addi %mul3A_8, %add3A_11 : i32
    "tpu.region"() ({
      %run_scoped3A = tpu.sem_alloc : memref<!tpu.dma_semaphore, #tpu.memory_space<semaphore_mem>>
      %dma_start3A = arith.constant 0 : i32
      %dma_start3A_26 = arith.constant 0 : i32
      %dma_start3A_27 = tpu.memref_slice %arg9[%dma_start3A, %dma_start3A_26] : memref<128x128xf32, #tpu.memory_space<vmem>> -> memref<128x128xf32, #tpu.memory_space<vmem>>
      %dma_start3A_28 = arith.constant 0 : i32
      %dma_start3A_29 = tpu.memref_slice %arg10[%add3A_12, %dma_start3A_28] : memref<10240x128xf32, #tpu.memory_space<vmem_shared>> -> memref<128x128xf32, #tpu.memory_space<vmem_shared>>
      %dma_start3A_30 = arith.constant 0 : i32
      %dma_start3A_31 = tpu.memref_slice %arg10[%add3A_12, %dma_start3A_30] : memref<10240x128xf32, #tpu.memory_space<vmem_shared>> -> memref<128x128xf32, #tpu.memory_space<vmem_shared>>
      %dma_start3A_32 = arith.constant 0 : i32
      %dma_start3A_33 = arith.constant 0 : i32
      %dma_start3A_34 = tpu.memref_slice %arg9[%dma_start3A_32, %dma_start3A_33] : memref<128x128xf32, #tpu.memory_space<vmem>> -> memref<128x128xf32, #tpu.memory_space<vmem>>
      tpu.enqueue_dma source(%dma_start3A_34 : memref<128x128xf32, #tpu.memory_space<vmem>>) target(%dma_start3A_31 : memref<128x128xf32, #tpu.memory_space<vmem_shared>>) target_semaphore(%run_scoped3A : memref<!tpu.dma_semaphore, #tpu.memory_space<semaphore_mem>>)
      %dma_wait3A = arith.constant 0 : i32
      %dma_wait3A_35 = arith.constant 0 : i32
      %dma_wait3A_36 = tpu.memref_slice %arg9[%dma_wait3A, %dma_wait3A_35] : memref<128x128xf32, #tpu.memory_space<vmem>> -> memref<128x128xf32, #tpu.memory_space<vmem>>
      %dma_wait3A_37 = arith.constant 0 : i32
      %dma_wait3A_38 = tpu.memref_slice %arg10[%add3A_12, %dma_wait3A_37] : memref<10240x128xf32, #tpu.memory_space<vmem_shared>> -> memref<128x128xf32, #tpu.memory_space<vmem_shared>>
      %dma_wait3A_39 = arith.constant 0 : i32
      %dma_wait3A_40 = tpu.memref_slice %arg10[%add3A_12, %dma_wait3A_39] : memref<10240x128xf32, #tpu.memory_space<vmem_shared>> -> memref<128x128xf32, #tpu.memory_space<vmem_shared>>
      %dma_wait3A_41 = arith.constant 0 : i32
      %dma_wait3A_42 = arith.constant 0 : i32
      %dma_wait3A_43 = tpu.memref_slice %arg9[%dma_wait3A_41, %dma_wait3A_42] : memref<128x128xf32, #tpu.memory_space<vmem>> -> memref<128x128xf32, #tpu.memory_space<vmem>>
      tpu.wait_dma2 semaphore(%run_scoped3A : memref<!tpu.dma_semaphore, #tpu.memory_space<semaphore_mem>>) src(%dma_wait3A_43 : memref<128x128xf32, #tpu.memory_space<vmem>>) dst(%dma_wait3A_40 : memref<128x128xf32, #tpu.memory_space<vmem_shared>>)
      tpu.yield
    }) : () -> ()
    %add3A_13 = arith.constant 256 : i32
    %add3A_14 = arith.addi %mul3A_8, %add3A_13 : i32
    "tpu.region"() ({
      %run_scoped3A = tpu.sem_alloc : memref<!tpu.dma_semaphore, #tpu.memory_space<semaphore_mem>>
      %dma_start3A = arith.constant 0 : i32
      %dma_start3A_26 = arith.constant 0 : i32
      %dma_start3A_27 = tpu.memref_slice %arg9[%dma_start3A, %dma_start3A_26] : memref<128x128xf32, #tpu.memory_space<vmem>> -> memref<128x128xf32, #tpu.memory_space<vmem>>
      %dma_start3A_28 = arith.constant 0 : i32
      %dma_start3A_29 = tpu.memref_slice %arg10[%add3A_14, %dma_start3A_28] : memref<10240x128xf32, #tpu.memory_space<vmem_shared>> -> memref<128x128xf32, #tpu.memory_space<vmem_shared>>
      %dma_start3A_30 = arith.constant 0 : i32
      %dma_start3A_31 = tpu.memref_slice %arg10[%add3A_14, %dma_start3A_30] : memref<10240x128xf32, #tpu.memory_space<vmem_shared>> -> memref<128x128xf32, #tpu.memory_space<vmem_shared>>
      %dma_start3A_32 = arith.constant 0 : i32
      %dma_start3A_33 = arith.constant 0 : i32
      %dma_start3A_34 = tpu.memref_slice %arg9[%dma_start3A_32, %dma_start3A_33] : memref<128x128xf32, #tpu.memory_space<vmem>> -> memref<128x128xf32, #tpu.memory_space<vmem>>
      tpu.enqueue_dma source(%dma_start3A_34 : memref<128x128xf32, #tpu.memory_space<vmem>>) target(%dma_start3A_31 : memref<128x128xf32, #tpu.memory_space<vmem_shared>>) target_semaphore(%run_scoped3A : memref<!tpu.dma_semaphore, #tpu.memory_space<semaphore_mem>>)
      %dma_wait3A = arith.constant 0 : i32
      %dma_wait3A_35 = arith.constant 0 : i32
      %dma_wait3A_36 = tpu.memref_slice %arg9[%dma_wait3A, %dma_wait3A_35] : memref<128x128xf32, #tpu.memory_space<vmem>> -> memref<128x128xf32, #tpu.memory_space<vmem>>
      %dma_wait3A_37 = arith.constant 0 : i32
      %dma_wait3A_38 = tpu.memref_slice %arg10[%add3A_14, %dma_wait3A_37] : memref<10240x128xf32, #tpu.memory_space<vmem_shared>> -> memref<128x128xf32, #tpu.memory_space<vmem_shared>>
      %dma_wait3A_39 = arith.constant 0 : i32
      %dma_wait3A_40 = tpu.memref_slice %arg10[%add3A_14, %dma_wait3A_39] : memref<10240x128xf32, #tpu.memory_space<vmem_shared>> -> memref<128x128xf32, #tpu.memory_space<vmem_shared>>
      %dma_wait3A_41 = arith.constant 0 : i32
      %dma_wait3A_42 = arith.constant 0 : i32
      %dma_wait3A_43 = tpu.memref_slice %arg9[%dma_wait3A_41, %dma_wait3A_42] : memref<128x128xf32, #tpu.memory_space<vmem>> -> memref<128x128xf32, #tpu.memory_space<vmem>>
      tpu.wait_dma2 semaphore(%run_scoped3A : memref<!tpu.dma_semaphore, #tpu.memory_space<semaphore_mem>>) src(%dma_wait3A_43 : memref<128x128xf32, #tpu.memory_space<vmem>>) dst(%dma_wait3A_40 : memref<128x128xf32, #tpu.memory_space<vmem_shared>>)
      tpu.yield
    }) : () -> ()
    %add3A_15 = arith.constant 384 : i32
    %add3A_16 = arith.addi %mul3A_8, %add3A_15 : i32
    "tpu.region"() ({
      %run_scoped3A = tpu.sem_alloc : memref<!tpu.dma_semaphore, #tpu.memory_space<semaphore_mem>>
      %dma_start3A = arith.constant 0 : i32
      %dma_start3A_26 = arith.constant 0 : i32
      %dma_start3A_27 = tpu.memref_slice %arg9[%dma_start3A, %dma_start3A_26] : memref<128x128xf32, #tpu.memory_space<vmem>> -> memref<128x128xf32, #tpu.memory_space<vmem>>
      %dma_start3A_28 = arith.constant 0 : i32
      %dma_start3A_29 = tpu.memref_slice %arg10[%add3A_16, %dma_start3A_28] : memref<10240x128xf32, #tpu.memory_space<vmem_shared>> -> memref<128x128xf32, #tpu.memory_space<vmem_shared>>
      %dma_start3A_30 = arith.constant 0 : i32
      %dma_start3A_31 = tpu.memref_slice %arg10[%add3A_16, %dma_start3A_30] : memref<10240x128xf32, #tpu.memory_space<vmem_shared>> -> memref<128x128xf32, #tpu.memory_space<vmem_shared>>
      %dma_start3A_32 = arith.constant 0 : i32
      %dma_start3A_33 = arith.constant 0 : i32
      %dma_start3A_34 = tpu.memref_slice %arg9[%dma_start3A_32, %dma_start3A_33] : memref<128x128xf32, #tpu.memory_space<vmem>> -> memref<128x128xf32, #tpu.memory_space<vmem>>
      tpu.enqueue_dma source(%dma_start3A_34 : memref<128x128xf32, #tpu.memory_space<vmem>>) target(%dma_start3A_31 : memref<128x128xf32, #tpu.memory_space<vmem_shared>>) target_semaphore(%run_scoped3A : memref<!tpu.dma_semaphore, #tpu.memory_space<semaphore_mem>>)
      %dma_wait3A = arith.constant 0 : i32
      %dma_wait3A_35 = arith.constant 0 : i32
      %dma_wait3A_36 = tpu.memref_slice %arg9[%dma_wait3A, %dma_wait3A_35] : memref<128x128xf32, #tpu.memory_space<vmem>> -> memref<128x128xf32, #tpu.memory_space<vmem>>
      %dma_wait3A_37 = arith.constant 0 : i32
      %dma_wait3A_38 = tpu.memref_slice %arg10[%add3A_16, %dma_wait3A_37] : memref<10240x128xf32, #tpu.memory_space<vmem_shared>> -> memref<128x128xf32, #tpu.memory_space<vmem_shared>>
      %dma_wait3A_39 = arith.constant 0 : i32
      %dma_wait3A_40 = tpu.memref_slice %arg10[%add3A_16, %dma_wait3A_39] : memref<10240x128xf32, #tpu.memory_space<vmem_shared>> -> memref<128x128xf32, #tpu.memory_space<vmem_shared>>
      %dma_wait3A_41 = arith.constant 0 : i32
      %dma_wait3A_42 = arith.constant 0 : i32
      %dma_wait3A_43 = tpu.memref_slice %arg9[%dma_wait3A_41, %dma_wait3A_42] : memref<128x128xf32, #tpu.memory_space<vmem>> -> memref<128x128xf32, #tpu.memory_space<vmem>>
      tpu.wait_dma2 semaphore(%run_scoped3A : memref<!tpu.dma_semaphore, #tpu.memory_space<semaphore_mem>>) src(%dma_wait3A_43 : memref<128x128xf32, #tpu.memory_space<vmem>>) dst(%dma_wait3A_40 : memref<128x128xf32, #tpu.memory_space<vmem_shared>>)
      tpu.yield
    }) : () -> ()
    %add3A_17 = arith.constant 512 : i32
    %add3A_18 = arith.addi %mul3A_8, %add3A_17 : i32
    "tpu.region"() ({
      %run_scoped3A = tpu.sem_alloc : memref<!tpu.dma_semaphore, #tpu.memory_space<semaphore_mem>>
      %dma_start3A = arith.constant 0 : i32
      %dma_start3A_26 = arith.constant 0 : i32
      %dma_start3A_27 = tpu.memref_slice %arg9[%dma_start3A, %dma_start3A_26] : memref<128x128xf32, #tpu.memory_space<vmem>> -> memref<128x128xf32, #tpu.memory_space<vmem>>
      %dma_start3A_28 = arith.constant 0 : i32
      %dma_start3A_29 = tpu.memref_slice %arg10[%add3A_18, %dma_start3A_28] : memref<10240x128xf32, #tpu.memory_space<vmem_shared>> -> memref<128x128xf32, #tpu.memory_space<vmem_shared>>
      %dma_start3A_30 = arith.constant 0 : i32
      %dma_start3A_31 = tpu.memref_slice %arg10[%add3A_18, %dma_start3A_30] : memref<10240x128xf32, #tpu.memory_space<vmem_shared>> -> memref<128x128xf32, #tpu.memory_space<vmem_shared>>
      %dma_start3A_32 = arith.constant 0 : i32
      %dma_start3A_33 = arith.constant 0 : i32
      %dma_start3A_34 = tpu.memref_slice %arg9[%dma_start3A_32, %dma_start3A_33] : memref<128x128xf32, #tpu.memory_space<vmem>> -> memref<128x128xf32, #tpu.memory_space<vmem>>
      tpu.enqueue_dma source(%dma_start3A_34 : memref<128x128xf32, #tpu.memory_space<vmem>>) target(%dma_start3A_31 : memref<128x128xf32, #tpu.memory_space<vmem_shared>>) target_semaphore(%run_scoped3A : memref<!tpu.dma_semaphore, #tpu.memory_space<semaphore_mem>>)
      %dma_wait3A = arith.constant 0 : i32
      %dma_wait3A_35 = arith.constant 0 : i32
      %dma_wait3A_36 = tpu.memref_slice %arg9[%dma_wait3A, %dma_wait3A_35] : memref<128x128xf32, #tpu.memory_space<vmem>> -> memref<128x128xf32, #tpu.memory_space<vmem>>
      %dma_wait3A_37 = arith.constant 0 : i32
      %dma_wait3A_38 = tpu.memref_slice %arg10[%add3A_18, %dma_wait3A_37] : memref<10240x128xf32, #tpu.memory_space<vmem_shared>> -> memref<128x128xf32, #tpu.memory_space<vmem_shared>>
      %dma_wait3A_39 = arith.constant 0 : i32
      %dma_wait3A_40 = tpu.memref_slice %arg10[%add3A_18, %dma_wait3A_39] : memref<10240x128xf32, #tpu.memory_space<vmem_shared>> -> memref<128x128xf32, #tpu.memory_space<vmem_shared>>
      %dma_wait3A_41 = arith.constant 0 : i32
      %dma_wait3A_42 = arith.constant 0 : i32
      %dma_wait3A_43 = tpu.memref_slice %arg9[%dma_wait3A_41, %dma_wait3A_42] : memref<128x128xf32, #tpu.memory_space<vmem>> -> memref<128x128xf32, #tpu.memory_space<vmem>>
      tpu.wait_dma2 semaphore(%run_scoped3A : memref<!tpu.dma_semaphore, #tpu.memory_space<semaphore_mem>>) src(%dma_wait3A_43 : memref<128x128xf32, #tpu.memory_space<vmem>>) dst(%dma_wait3A_40 : memref<128x128xf32, #tpu.memory_space<vmem_shared>>)
      tpu.yield
    }) : () -> ()
    %barrier3A = arith.constant 0 : index
    tpu.barrier barrier_id(%barrier3A)
    %scan3A_19 = arith.constant 0 : i32
    %scan3A_20 = arith.constant 0 : i32
    %scan3A_21 = arith.constant 79 : i32
    %scan3A_22 = arith.addi %scan3A_20, %scan3A_21 : i32
    %scan3A_23 = arith.constant 1 : i32
    scf.for %scan3A_26 = %scan3A_20 to %scan3A_22 step %scan3A_23  : i32 {
      %mul3A_27 = arith.constant 32 : i32
      %mul3A_28 = arith.muli %scan3A_26, %mul3A_27 : i32
      %add3A_29 = arith.addi %mul3A_28, %add3A : i32
      %lt3A = arith.constant 2500 : i32
      %lt3A_30 = arith.cmpi slt, %add3A_29, %lt3A : i32
      %convert_element_type3A = arith.extui %lt3A_30 : i1 to i32
      %cond3A = arith.constant 0 : i32
      %cond3A_31 = arith.cmpi ne, %convert_element_type3A, %cond3A : i32
      scf.if %cond3A_31 {
        %mul3A_32 = arith.constant 128 : i32
        %mul3A_33 = arith.muli %add3A_29, %mul3A_32 : i32
        %run_scoped3A = arith.constant 0 : i32
        "tpu.region"() ({
          %run_scoped3A_48 = tpu.sem_alloc : memref<!tpu.dma_semaphore, #tpu.memory_space<semaphore_mem>>
          %dma_start3A_49 = arith.constant 0 : i32
          %dma_start3A_50 = tpu.memref_slice %arg6[%run_scoped3A, %dma_start3A_49] : memref<1x128xi32, #tpu.memory_space<vmem>> -> memref<1x128xi32, #tpu.memory_space<vmem>>
          %dma_start3A_51 = tpu.memref_squeeze %dma_start3A_50 : memref<1x128xi32, #tpu.memory_space<vmem>> -> memref<128xi32, #tpu.memory_space<vmem>>
          %dma_start3A_52 = tpu.memref_slice %arg2[%mul3A_33] : memref<320000xi32, #tpu.memory_space<hbm>> -> memref<128xi32, #tpu.memory_space<hbm>>
          %dma_start3A_53 = arith.constant 0 : i32
          %dma_start3A_54 = tpu.memref_slice %arg6[%run_scoped3A, %dma_start3A_53] : memref<1x128xi32, #tpu.memory_space<vmem>> -> memref<1x128xi32, #tpu.memory_space<vmem>>
          %dma_start3A_55 = tpu.memref_squeeze %dma_start3A_54 : memref<1x128xi32, #tpu.memory_space<vmem>> -> memref<128xi32, #tpu.memory_space<vmem>>
          %dma_start3A_56 = tpu.memref_slice %arg2[%mul3A_33] : memref<320000xi32, #tpu.memory_space<hbm>> -> memref<128xi32, #tpu.memory_space<hbm>>
          tpu.enqueue_dma source(%dma_start3A_56 : memref<128xi32, #tpu.memory_space<hbm>>) target(%dma_start3A_55 : memref<128xi32, #tpu.memory_space<vmem>>) target_semaphore(%run_scoped3A_48 : memref<!tpu.dma_semaphore, #tpu.memory_space<semaphore_mem>>)
          %dma_wait3A_57 = arith.constant 0 : i32
          %dma_wait3A_58 = tpu.memref_slice %arg6[%run_scoped3A, %dma_wait3A_57] : memref<1x128xi32, #tpu.memory_space<vmem>> -> memref<1x128xi32, #tpu.memory_space<vmem>>
          %dma_wait3A_59 = tpu.memref_squeeze %dma_wait3A_58 : memref<1x128xi32, #tpu.memory_space<vmem>> -> memref<128xi32, #tpu.memory_space<vmem>>
          %dma_wait3A_60 = tpu.memref_slice %arg2[%mul3A_33] : memref<320000xi32, #tpu.memory_space<hbm>> -> memref<128xi32, #tpu.memory_space<hbm>>
          %dma_wait3A_61 = arith.constant 0 : i32
          %dma_wait3A_62 = tpu.memref_slice %arg6[%run_scoped3A, %dma_wait3A_61] : memref<1x128xi32, #tpu.memory_space<vmem>> -> memref<1x128xi32, #tpu.memory_space<vmem>>
          %dma_wait3A_63 = tpu.memref_squeeze %dma_wait3A_62 : memref<1x128xi32, #tpu.memory_space<vmem>> -> memref<128xi32, #tpu.memory_space<vmem>>
          %dma_wait3A_64 = tpu.memref_slice %arg2[%mul3A_33] : memref<320000xi32, #tpu.memory_space<hbm>> -> memref<128xi32, #tpu.memory_space<hbm>>
          tpu.wait_dma2 semaphore(%run_scoped3A_48 : memref<!tpu.dma_semaphore, #tpu.memory_space<semaphore_mem>>) src(%dma_wait3A_64 : memref<128xi32, #tpu.memory_space<hbm>>) dst(%dma_wait3A_63 : memref<128xi32, #tpu.memory_space<vmem>>)
          tpu.yield
        }) : () -> ()
        %run_scoped3A_34 = arith.constant 0 : i32
        "tpu.region"() ({
          %run_scoped3A_48 = tpu.sem_alloc : memref<!tpu.dma_semaphore, #tpu.memory_space<semaphore_mem>>
          %dma_start3A_49 = arith.constant 0 : i32
          %dma_start3A_50 = tpu.memref_slice %arg7[%run_scoped3A_34, %dma_start3A_49] : memref<1x128xi32, #tpu.memory_space<vmem>> -> memref<1x128xi32, #tpu.memory_space<vmem>>
          %dma_start3A_51 = tpu.memref_squeeze %dma_start3A_50 : memref<1x128xi32, #tpu.memory_space<vmem>> -> memref<128xi32, #tpu.memory_space<vmem>>
          %dma_start3A_52 = tpu.memref_slice %arg3[%mul3A_33] : memref<320000xi32, #tpu.memory_space<hbm>> -> memref<128xi32, #tpu.memory_space<hbm>>
          %dma_start3A_53 = arith.constant 0 : i32
          %dma_start3A_54 = tpu.memref_slice %arg7[%run_scoped3A_34, %dma_start3A_53] : memref<1x128xi32, #tpu.memory_space<vmem>> -> memref<1x128xi32, #tpu.memory_space<vmem>>
          %dma_start3A_55 = tpu.memref_squeeze %dma_start3A_54 : memref<1x128xi32, #tpu.memory_space<vmem>> -> memref<128xi32, #tpu.memory_space<vmem>>
          %dma_start3A_56 = tpu.memref_slice %arg3[%mul3A_33] : memref<320000xi32, #tpu.memory_space<hbm>> -> memref<128xi32, #tpu.memory_space<hbm>>
          tpu.enqueue_dma source(%dma_start3A_56 : memref<128xi32, #tpu.memory_space<hbm>>) target(%dma_start3A_55 : memref<128xi32, #tpu.memory_space<vmem>>) target_semaphore(%run_scoped3A_48 : memref<!tpu.dma_semaphore, #tpu.memory_space<semaphore_mem>>)
          %dma_wait3A_57 = arith.constant 0 : i32
          %dma_wait3A_58 = tpu.memref_slice %arg7[%run_scoped3A_34, %dma_wait3A_57] : memref<1x128xi32, #tpu.memory_space<vmem>> -> memref<1x128xi32, #tpu.memory_space<vmem>>
          %dma_wait3A_59 = tpu.memref_squeeze %dma_wait3A_58 : memref<1x128xi32, #tpu.memory_space<vmem>> -> memref<128xi32, #tpu.memory_space<vmem>>
          %dma_wait3A_60 = tpu.memref_slice %arg3[%mul3A_33] : memref<320000xi32, #tpu.memory_space<hbm>> -> memref<128xi32, #tpu.memory_space<hbm>>
          %dma_wait3A_61 = arith.constant 0 : i32
          %dma_wait3A_62 = tpu.memref_slice %arg7[%run_scoped3A_34, %dma_wait3A_61] : memref<1x128xi32, #tpu.memory_space<vmem>> -> memref<1x128xi32, #tpu.memory_space<vmem>>
          %dma_wait3A_63 = tpu.memref_squeeze %dma_wait3A_62 : memref<1x128xi32, #tpu.memory_space<vmem>> -> memref<128xi32, #tpu.memory_space<vmem>>
          %dma_wait3A_64 = tpu.memref_slice %arg3[%mul3A_33] : memref<320000xi32, #tpu.memory_space<hbm>> -> memref<128xi32, #tpu.memory_space<hbm>>
          tpu.wait_dma2 semaphore(%run_scoped3A_48 : memref<!tpu.dma_semaphore, #tpu.memory_space<semaphore_mem>>) src(%dma_wait3A_64 : memref<128xi32, #tpu.memory_space<hbm>>) dst(%dma_wait3A_63 : memref<128xi32, #tpu.memory_space<vmem>>)
          tpu.yield
        }) : () -> ()
        %dma_start3A = arith.constant 0 : i32
        %dma_start3A_35 = arith.constant 0 : i32
        %dma_start3A_36 = tpu.memref_slice %arg6[%dma_start3A, %dma_start3A_35] : memref<1x128xi32, #tpu.memory_space<vmem>> -> memref<1x128xi32, #tpu.memory_space<vmem>>
        %dma_start3A_37 = tpu.memref_squeeze %dma_start3A_36 : memref<1x128xi32, #tpu.memory_space<vmem>> -> memref<128xi32, #tpu.memory_space<vmem>>
        %dma_start3A_38 = arith.constant 0 : i32
        %dma_start3A_39 = arith.constant 0 : i32
        %dma_start3A_40 = tpu.memref_slice %arg4[%dma_start3A_38, %dma_start3A_39] : memref<10000x128xf32, #tpu.memory_space<hbm>> -> memref<10000x128xf32, #tpu.memory_space<hbm>>
        tpu.enqueue_indirect_dma source(%dma_start3A_40 : memref<10000x128xf32, #tpu.memory_space<hbm>>) target(%arg8 : memref<128x128xf32, #tpu.memory_space<vmem>>) offsets(%dma_start3A_37 : memref<128xi32, #tpu.memory_space<vmem>>) semaphore(%arg11 : memref<!tpu.dma_semaphore, #tpu.memory_space<semaphore_mem>>)
        %dma_wait3A = arith.constant 0 : i32
        %dma_wait3A_41 = arith.constant 0 : i32
        %dma_wait3A_42 = tpu.memref_slice %arg6[%dma_wait3A, %dma_wait3A_41] : memref<1x128xi32, #tpu.memory_space<vmem>> -> memref<1x128xi32, #tpu.memory_space<vmem>>
        %dma_wait3A_43 = tpu.memref_squeeze %dma_wait3A_42 : memref<1x128xi32, #tpu.memory_space<vmem>> -> memref<128xi32, #tpu.memory_space<vmem>>
        %dma_wait3A_44 = arith.constant 0 : i32
        %dma_wait3A_45 = arith.constant 0 : i32
        %dma_wait3A_46 = tpu.memref_slice %arg4[%dma_wait3A_44, %dma_wait3A_45] : memref<10000x128xf32, #tpu.memory_space<hbm>> -> memref<10000x128xf32, #tpu.memory_space<hbm>>
        tpu.wait_indirect_dma semaphore(%arg11 : memref<!tpu.dma_semaphore, #tpu.memory_space<semaphore_mem>>) src(%dma_wait3A_46 : memref<10000x128xf32, #tpu.memory_space<hbm>>) dst(%arg8 : memref<128x128xf32, #tpu.memory_space<vmem>>)
        %run_scoped3A_47 = arith.constant 0 : i32
        "tpu.region"() ({
          %run_scoped3A_48 = tpu.sem_alloc : memref<!tpu.dma_semaphore, #tpu.memory_space<semaphore_mem>>
          %dma_start3A_49 = arith.constant 0 : i32
          %dma_start3A_50 = tpu.memref_slice %arg7[%run_scoped3A_47, %dma_start3A_49] : memref<1x128xi32, #tpu.memory_space<vmem>> -> memref<1x128xi32, #tpu.memory_space<vmem>>
          %dma_start3A_51 = tpu.memref_squeeze %dma_start3A_50 : memref<1x128xi32, #tpu.memory_space<vmem>> -> memref<128xi32, #tpu.memory_space<vmem>>
          %dma_start3A_52 = arith.constant 0 : i32
          %dma_start3A_53 = arith.constant 0 : i32
          %dma_start3A_54 = tpu.memref_slice %arg10[%dma_start3A_52, %dma_start3A_53] : memref<10240x128xf32, #tpu.memory_space<vmem_shared>> -> memref<10240x128xf32, #tpu.memory_space<vmem_shared>>
          tpu.enqueue_indirect_dma source(%arg8 : memref<128x128xf32, #tpu.memory_space<vmem>>) target(%dma_start3A_54 : memref<10240x128xf32, #tpu.memory_space<vmem_shared>>) offsets(%dma_start3A_51 : memref<128xi32, #tpu.memory_space<vmem>>) semaphore(%run_scoped3A_48 : memref<!tpu.dma_semaphore, #tpu.memory_space<semaphore_mem>>) {add = true}
          %dma_wait3A_55 = arith.constant 0 : i32
          %dma_wait3A_56 = tpu.memref_slice %arg7[%run_scoped3A_47, %dma_wait3A_55] : memref<1x128xi32, #tpu.memory_space<vmem>> -> memref<1x128xi32, #tpu.memory_space<vmem>>
          %dma_wait3A_57 = tpu.memref_squeeze %dma_wait3A_56 : memref<1x128xi32, #tpu.memory_space<vmem>> -> memref<128xi32, #tpu.memory_space<vmem>>
          %dma_wait3A_58 = arith.constant 0 : i32
          %dma_wait3A_59 = arith.constant 0 : i32
          %dma_wait3A_60 = tpu.memref_slice %arg10[%dma_wait3A_58, %dma_wait3A_59] : memref<10240x128xf32, #tpu.memory_space<vmem_shared>> -> memref<10240x128xf32, #tpu.memory_space<vmem_shared>>
          tpu.wait_indirect_dma semaphore(%run_scoped3A_48 : memref<!tpu.dma_semaphore, #tpu.memory_space<semaphore_mem>>) src(%arg8 : memref<128x128xf32, #tpu.memory_space<vmem>>) dst(%dma_wait3A_60 : memref<10240x128xf32, #tpu.memory_space<vmem_shared>>)
          tpu.yield
        }) : () -> ()
      } else {
      }
    }
    %scan3A_24 = arith.constant 79 : i32
    %barrier3A_25 = arith.constant 0 : index
    tpu.barrier barrier_id(%barrier3A_25)
    "tpu.region"() ({
      %run_scoped3A = tpu.sem_alloc : memref<!tpu.dma_semaphore, #tpu.memory_space<semaphore_mem>>
      %dma_start3A = arith.constant 0 : i32
      %dma_start3A_26 = tpu.memref_slice %arg5[%arg0, %mul3A_8, %dma_start3A] : memref<2x10240x128xf32, #tpu.memory_space<hbm>> -> memref<1x640x128xf32, #tpu.memory_space<hbm>>
      %dma_start3A_27 = tpu.memref_squeeze %dma_start3A_26 : memref<1x640x128xf32, #tpu.memory_space<hbm>> -> memref<640x128xf32, #tpu.memory_space<hbm>>
      %dma_start3A_28 = arith.constant 0 : i32
      %dma_start3A_29 = tpu.memref_slice %arg10[%mul3A_8, %dma_start3A_28] : memref<10240x128xf32, #tpu.memory_space<vmem_shared>> -> memref<640x128xf32, #tpu.memory_space<vmem_shared>>
      tpu.enqueue_dma source(%dma_start3A_29 : memref<640x128xf32, #tpu.memory_space<vmem_shared>>) target(%dma_start3A_27 : memref<640x128xf32, #tpu.memory_space<hbm>>) target_semaphore(%run_scoped3A : memref<!tpu.dma_semaphore, #tpu.memory_space<semaphore_mem>>)
      %dma_wait3A = arith.constant 0 : i32
      %dma_wait3A_30 = tpu.memref_slice %arg5[%arg0, %mul3A_8, %dma_wait3A] : memref<2x10240x128xf32, #tpu.memory_space<hbm>> -> memref<1x640x128xf32, #tpu.memory_space<hbm>>
      %dma_wait3A_31 = tpu.memref_squeeze %dma_wait3A_30 : memref<1x640x128xf32, #tpu.memory_space<hbm>> -> memref<640x128xf32, #tpu.memory_space<hbm>>
      %dma_wait3A_32 = arith.constant 0 : i32
      %dma_wait3A_33 = tpu.memref_slice %arg10[%mul3A_8, %dma_wait3A_32] : memref<10240x128xf32, #tpu.memory_space<vmem_shared>> -> memref<640x128xf32, #tpu.memory_space<vmem_shared>>
      tpu.wait_dma2 semaphore(%run_scoped3A : memref<!tpu.dma_semaphore, #tpu.memory_space<semaphore_mem>>) src(%dma_wait3A_33 : memref<640x128xf32, #tpu.memory_space<vmem_shared>>) dst(%dma_wait3A_31 : memref<640x128xf32, #tpu.memory_space<hbm>>)
      tpu.yield
    }) : () -> ()
    return
  }
}

module attributes {stable_mosaic.version = 14 : i64} {
  func.func @_mlp1_body(%arg0: i32, %arg1: memref<2x1000x128xf32, #tpu.memory_space<vmem>>, %arg2: memref<128x256xf32, #tpu.memory_space<vmem>>, %arg3: memref<1x256xf32, #tpu.memory_space<vmem>>, %arg4: memref<256x128xf32, #tpu.memory_space<vmem>>, %arg5: memref<1000x128xf32, #tpu.memory_space<vmem>>) attributes {dimension_semantics = [#tpu.dimension_semantics<arbitrary>], iteration_bounds = array<i64: 10>, scalar_prefetch = 0 : i64, scratch_operands = 0 : i64, tpu.core_type = #tpu.core_type<tc>, window_params = [{transform_indices = @transform_0, window_bounds = array<i64: 2, 1000, 128>}, {pipeline_mode = #tpu.pipeline_mode<synchronous>, transform_indices = @transform_1, window_bounds = array<i64: 128, 256>}, {pipeline_mode = #tpu.pipeline_mode<synchronous>, transform_indices = @transform_2, window_bounds = array<i64: 1, 256>}, {pipeline_mode = #tpu.pipeline_mode<synchronous>, transform_indices = @transform_3, window_bounds = array<i64: 256, 128>}, {transform_indices = @transform_4, window_bounds = array<i64: 1000, 128>}]} {
    %get3A = arith.constant 0 : index
    %get3A_0 = arith.constant 0 : index
    %get3A_1 = arith.constant 0 : index
    %get3A_2 = vector.load %arg1[%get3A, %get3A_0, %get3A_1] : memref<2x1000x128xf32, #tpu.memory_space<vmem>>, vector<1x1000x128xf32>
    %get3A_3 = vector.shape_cast %get3A_2 : vector<1x1000x128xf32> to vector<1000x128xf32>
    %get3A_4 = arith.constant 1 : index
    %get3A_5 = arith.constant 0 : index
    %get3A_6 = arith.constant 0 : index
    %get3A_7 = vector.load %arg1[%get3A_4, %get3A_5, %get3A_6] : memref<2x1000x128xf32, #tpu.memory_space<vmem>>, vector<1x1000x128xf32>
    %get3A_8 = vector.shape_cast %get3A_7 : vector<1x1000x128xf32> to vector<1000x128xf32>
    %add3A = arith.addf %get3A_3, %get3A_8 : vector<1000x128xf32>
    %get3A_9 = arith.constant 0 : index
    %get3A_10 = arith.constant 0 : index
    %get3A_11 = vector.load %arg2[%get3A_9, %get3A_10] : memref<128x256xf32, #tpu.memory_space<vmem>>, vector<128x256xf32>
    %dot_general3A = arith.constant dense<0.000000e+00> : vector<1000x256xf32>
    %dot_general3A_12 = tpu.matmul %add3A, %get3A_11, %dot_general3A {dimension_numbers = #tpu.dot_dimension_numbers<[1], [0], [0], [1], [0, 0, 1, 1], [], []>, transpose_lhs_hint = false} : vector<1000x128xf32>, vector<128x256xf32>, vector<1000x256xf32> -> vector<1000x256xf32>
    %get3A_13 = arith.constant 0 : index
    %get3A_14 = arith.constant 0 : index
    %get3A_15 = vector.load %arg3[%get3A_13, %get3A_14] : memref<1x256xf32, #tpu.memory_space<vmem>>, vector<1x256xf32>
    %add3A_16 = vector.broadcast %get3A_15 : vector<1x256xf32> to vector<1000x256xf32>
    %add3A_17 = arith.addf %dot_general3A_12, %add3A_16 : vector<1000x256xf32>
    %max3A = arith.constant 0.000000e+00 : f32
    %max3A_18 = vector.broadcast %max3A : f32 to vector<1000x256xf32>
    %max3A_19 = arith.maximumf %add3A_17, %max3A_18 : vector<1000x256xf32>
    %get3A_20 = arith.constant 0 : index
    %get3A_21 = arith.constant 0 : index
    %get3A_22 = vector.load %arg4[%get3A_20, %get3A_21] : memref<256x128xf32, #tpu.memory_space<vmem>>, vector<256x128xf32>
    %dot_general3A_23 = arith.constant dense<0.000000e+00> : vector<1000x128xf32>
    %dot_general3A_24 = tpu.matmul %max3A_19, %get3A_22, %dot_general3A_23 {dimension_numbers = #tpu.dot_dimension_numbers<[1], [0], [0], [1], [0, 0, 1, 1], [], []>, transpose_lhs_hint = false} : vector<1000x256xf32>, vector<256x128xf32>, vector<1000x128xf32> -> vector<1000x128xf32>
    %swap3A = arith.constant 0 : index
    %swap3A_25 = arith.constant 0 : index
    %swap3A_26 = vector.load %arg5[%swap3A, %swap3A_25] : memref<1000x128xf32, #tpu.memory_space<vmem>>, vector<1000x128xf32>
    tpu.vector_store %arg5[%swap3A, %swap3A_25], %dot_general3A_24 {strides = array<i32>} : memref<1000x128xf32, #tpu.memory_space<vmem>>, vector<1000x128xf32>,
    return
  }
  func.func @transform_0(%arg0: i32) -> (i32, i32, i32) {
    %c0_i32 = arith.constant 0 : i32
    %c0_i32_0 = arith.constant 0 : i32
    %c0_i32_1 = arith.constant 0 : i32
    return %c0_i32, %arg0, %c0_i32_0 : i32, i32, i32
  }
  func.func @transform_1(%arg0: i32) -> (i32, i32) {
    %c0_i32 = arith.constant 0 : i32
    %c0_i32_0 = arith.constant 0 : i32
    %c0_i32_1 = arith.constant 0 : i32
    return %c0_i32, %c0_i32_0 : i32, i32
  }
  func.func @transform_2(%arg0: i32) -> (i32, i32) {
    %c0_i32 = arith.constant 0 : i32
    %c0_i32_0 = arith.constant 0 : i32
    %c0_i32_1 = arith.constant 0 : i32
    return %c0_i32, %c0_i32_0 : i32, i32
  }
  func.func @transform_3(%arg0: i32) -> (i32, i32) {
    %c0_i32 = arith.constant 0 : i32
    %c0_i32_0 = arith.constant 0 : i32
    %c0_i32_1 = arith.constant 0 : i32
    return %c0_i32, %c0_i32_0 : i32, i32
  }
  func.func @transform_4(%arg0: i32) -> (i32, i32) {
    %c0_i32 = arith.constant 0 : i32
    %c0_i32_0 = arith.constant 0 : i32
    return %arg0, %c0_i32 : i32, i32
  }
}

module attributes {stable_mosaic.version = 14 : i64} {
  func.func @_mlp2_body(%arg0: i32, %arg1: memref<2x1000x128xf32, #tpu.memory_space<vmem>>, %arg2: memref<1x128xf32, #tpu.memory_space<vmem>>, %arg3: memref<128x128xf32, #tpu.memory_space<vmem>>, %arg4: memref<1000x128xf32, #tpu.memory_space<vmem>>) attributes {dimension_semantics = [#tpu.dimension_semantics<arbitrary>], iteration_bounds = array<i64: 10>, scalar_prefetch = 0 : i64, scratch_operands = 0 : i64, tpu.core_type = #tpu.core_type<tc>, window_params = [{transform_indices = @transform_0, window_bounds = array<i64: 2, 1000, 128>}, {pipeline_mode = #tpu.pipeline_mode<synchronous>, transform_indices = @transform_1, window_bounds = array<i64: 1, 128>}, {pipeline_mode = #tpu.pipeline_mode<synchronous>, transform_indices = @transform_2, window_bounds = array<i64: 128, 128>}, {transform_indices = @transform_3, window_bounds = array<i64: 1000, 128>}]} {
    %get3A = arith.constant 0 : index
    %get3A_0 = arith.constant 0 : index
    %get3A_1 = arith.constant 0 : index
    %get3A_2 = vector.load %arg1[%get3A, %get3A_0, %get3A_1] : memref<2x1000x128xf32, #tpu.memory_space<vmem>>, vector<1x1000x128xf32>
    %get3A_3 = vector.shape_cast %get3A_2 : vector<1x1000x128xf32> to vector<1000x128xf32>
    %get3A_4 = arith.constant 1 : index
    %get3A_5 = arith.constant 0 : index
    %get3A_6 = arith.constant 0 : index
    %get3A_7 = vector.load %arg1[%get3A_4, %get3A_5, %get3A_6] : memref<2x1000x128xf32, #tpu.memory_space<vmem>>, vector<1x1000x128xf32>
    %get3A_8 = vector.shape_cast %get3A_7 : vector<1x1000x128xf32> to vector<1000x128xf32>
    %add3A = arith.addf %get3A_3, %get3A_8 : vector<1000x128xf32>
    %get3A_9 = arith.constant 0 : index
    %get3A_10 = arith.constant 0 : index
    %get3A_11 = vector.load %arg2[%get3A_9, %get3A_10] : memref<1x128xf32, #tpu.memory_space<vmem>>, vector<1x128xf32>
    %add3A_12 = vector.broadcast %get3A_11 : vector<1x128xf32> to vector<1000x128xf32>
    %add3A_13 = arith.addf %add3A, %add3A_12 : vector<1000x128xf32>
    %max3A = arith.constant 0.000000e+00 : f32
    %max3A_14 = vector.broadcast %max3A : f32 to vector<1000x128xf32>
    %max3A_15 = arith.maximumf %add3A_13, %max3A_14 : vector<1000x128xf32>
    %get3A_16 = arith.constant 0 : index
    %get3A_17 = arith.constant 0 : index
    %get3A_18 = vector.load %arg3[%get3A_16, %get3A_17] : memref<128x128xf32, #tpu.memory_space<vmem>>, vector<128x128xf32>
    %dot_general3A = arith.constant dense<0.000000e+00> : vector<1000x128xf32>
    %dot_general3A_19 = tpu.matmul %max3A_15, %get3A_18, %dot_general3A {dimension_numbers = #tpu.dot_dimension_numbers<[1], [0], [0], [1], [0, 0, 1, 1], [], []>, transpose_lhs_hint = false} : vector<1000x128xf32>, vector<128x128xf32>, vector<1000x128xf32> -> vector<1000x128xf32>
    %swap3A = arith.constant 0 : index
    %swap3A_20 = arith.constant 0 : index
    %swap3A_21 = vector.load %arg4[%swap3A, %swap3A_20] : memref<1000x128xf32, #tpu.memory_space<vmem>>, vector<1000x128xf32>
    tpu.vector_store %arg4[%swap3A, %swap3A_20], %dot_general3A_19 {strides = array<i32>} : memref<1000x128xf32, #tpu.memory_space<vmem>>, vector<1000x128xf32>,
    return
  }
  func.func @transform_0(%arg0: i32) -> (i32, i32, i32) {
    %c0_i32 = arith.constant 0 : i32
    %c0_i32_0 = arith.constant 0 : i32
    %c0_i32_1 = arith.constant 0 : i32
    return %c0_i32, %arg0, %c0_i32_0 : i32, i32, i32
  }
  func.func @transform_1(%arg0: i32) -> (i32, i32) {
    %c0_i32 = arith.constant 0 : i32
    %c0_i32_0 = arith.constant 0 : i32
    %c0_i32_1 = arith.constant 0 : i32
    return %c0_i32, %c0_i32_0 : i32, i32
  }
  func.func @transform_2(%arg0: i32) -> (i32, i32) {
    %c0_i32 = arith.constant 0 : i32
    %c0_i32_0 = arith.constant 0 : i32
    %c0_i32_1 = arith.constant 0 : i32
    return %c0_i32, %c0_i32_0 : i32, i32
  }
  func.func @transform_3(%arg0: i32) -> (i32, i32) {
    %c0_i32 = arith.constant 0 : i32
    %c0_i32_0 = arith.constant 0 : i32
    return %arg0, %c0_i32 : i32, i32
  }
}

module attributes {stable_mosaic.version = 14 : i64} {
  func.func @_bias_body(%arg0: i32, %arg1: memref<2x1000x128xf32, #tpu.memory_space<vmem>>, %arg2: memref<1x128xf32, #tpu.memory_space<vmem>>, %arg3: memref<1000x128xf32, #tpu.memory_space<vmem>>) attributes {dimension_semantics = [#tpu.dimension_semantics<arbitrary>], iteration_bounds = array<i64: 10>, scalar_prefetch = 0 : i64, scratch_operands = 0 : i64, tpu.core_type = #tpu.core_type<tc>, window_params = [{transform_indices = @transform_0, window_bounds = array<i64: 2, 1000, 128>}, {pipeline_mode = #tpu.pipeline_mode<synchronous>, transform_indices = @transform_1, window_bounds = array<i64: 1, 128>}, {transform_indices = @transform_2, window_bounds = array<i64: 1000, 128>}]} {
    %get3A = arith.constant 0 : index
    %get3A_0 = arith.constant 0 : index
    %get3A_1 = arith.constant 0 : index
    %get3A_2 = vector.load %arg1[%get3A, %get3A_0, %get3A_1] : memref<2x1000x128xf32, #tpu.memory_space<vmem>>, vector<1x1000x128xf32>
    %get3A_3 = vector.shape_cast %get3A_2 : vector<1x1000x128xf32> to vector<1000x128xf32>
    %get3A_4 = arith.constant 1 : index
    %get3A_5 = arith.constant 0 : index
    %get3A_6 = arith.constant 0 : index
    %get3A_7 = vector.load %arg1[%get3A_4, %get3A_5, %get3A_6] : memref<2x1000x128xf32, #tpu.memory_space<vmem>>, vector<1x1000x128xf32>
    %get3A_8 = vector.shape_cast %get3A_7 : vector<1x1000x128xf32> to vector<1000x128xf32>
    %add3A = arith.addf %get3A_3, %get3A_8 : vector<1000x128xf32>
    %get3A_9 = arith.constant 0 : index
    %get3A_10 = arith.constant 0 : index
    %get3A_11 = vector.load %arg2[%get3A_9, %get3A_10] : memref<1x128xf32, #tpu.memory_space<vmem>>, vector<1x128xf32>
    %add3A_12 = vector.broadcast %get3A_11 : vector<1x128xf32> to vector<1000x128xf32>
    %add3A_13 = arith.addf %add3A, %add3A_12 : vector<1000x128xf32>
    %swap3A = arith.constant 0 : index
    %swap3A_14 = arith.constant 0 : index
    %swap3A_15 = vector.load %arg3[%swap3A, %swap3A_14] : memref<1000x128xf32, #tpu.memory_space<vmem>>, vector<1000x128xf32>
    tpu.vector_store %arg3[%swap3A, %swap3A_14], %add3A_13 {strides = array<i32>} : memref<1000x128xf32, #tpu.memory_space<vmem>>, vector<1000x128xf32>,
    return
  }
  func.func @transform_0(%arg0: i32) -> (i32, i32, i32) {
    %c0_i32 = arith.constant 0 : i32
    %c0_i32_0 = arith.constant 0 : i32
    %c0_i32_1 = arith.constant 0 : i32
    return %c0_i32, %arg0, %c0_i32_0 : i32, i32, i32
  }
  func.func @transform_1(%arg0: i32) -> (i32, i32) {
    %c0_i32 = arith.constant 0 : i32
    %c0_i32_0 = arith.constant 0 : i32
    %c0_i32_1 = arith.constant 0 : i32
    return %c0_i32, %c0_i32_0 : i32, i32
  }
  func.func @transform_2(%arg0: i32) -> (i32, i32) {
    %c0_i32 = arith.constant 0 : i32
    %c0_i32_0 = arith.constant 0 : i32
    return %arg0, %c0_i32 : i32, i32
  }
}

</mosaic_0001>

<sc_bundles>
// kernel: kernel.11.cloned.1.call-start
scs
__scs_entry_jumppad:
0x0: {  	(pc) =	sbr.rel $0x88, $3  }
0x1: {  	(tag) =	ssettag $0x0;
	lr =	simm.s32 $0x1  }
0x2: {  	[smem:$0x3F99] =	sst lr;
	_ =	strace $0xD0000000  }
0x3: {  	_ = 	snop  }
0x4: {  	_ = 	snop  }
0x5: {  	_ = 	snop  }
0x6: {  	_ = 	snop  }
0x7: {  	_ = 	snop  }
__scs_overlays_trampoline_lowered:
0x8: {  	[smem:$0x3FA8] =	sst s0  }
0x9: {  	[smem:$0x3FA9] =	sst s1  }
0xa: {  	[smem:$0x3FAA] =	sst s2  }
0xb: {  	[smem:$0x3FAB] =	sst s3  }
0xc: {  	[smem:$0x3FAC] =	sst s4  }
0xd: {  	[smem:$0x3FAD] =	sst s5  }
0xe: {  	[smem:$0x3FAE] =	sst s6  }
0xf: {  	[smem:$0x3FAF] =	sst s7  }
0x10: {  	[smem:$0x3FB0] =	sst s8  }
0x11: {  	[smem:$0x3FB1] =	sst s9;
	s0 =	simm.s32 @!p0 $0x0  }
0x12: {  	s1 =	sld [smem:$0x3F97];
	s0 =	simm.s32 @p0 $0x1  }
0x13: {  	[smem:$0x3FB2] =	sst s0;
	s0 =	simm.s32 @!p1 $0x0  }
0x14: {  	s2 =	sld [smem:$0x3F96];
	s0 =	simm.s32 @p1 $0x1  }
0x15: {  	[smem:$0x3FB3] =	sst s0;
	s0 =	simm.s32 @!p2 $0x0  }
0x16: {  	s3 =	sld [smem:$0x3FDB];
	s0 =	simm.s32 @p2 $0x1  }
0x17: {  	s4 =	simm.s32 $0x1BF5;
	[smem:$0x3FB5] =	sst s0  }
0x18: {  	s0 =	sld [smem:$0x3F98];
	_ =	swait.ge [sflag:s4], $0x0  }
0x19: {  	s7 =	sld [smem:$0x3F99]  }
0x1a: {  	s8 =	sadd.s32 $0xFFFFE003, lr  }
0x1b: {  	s9 =	sadd.s32 $0xFFFFFEF7, lr;
	s5 =	simm.s32 $0xFFFFFFFF;
	p2 =	slt.u32 s8, $0xFFFFF086  }
0x1c: {  	p1 =	slt.u32 s9, $0xF7A;
	s5 =	simm.s32 @!p2 $0x0  }
0x1d: {  	s5 =	simm.s32 @p1 $0x1;
	p0 =	seq.s32 s7, s2  }
0x1e: {  	s7 =	smul.u32 @!p0 $0xF7A, s2;
	p2 =	seq.s32 @!p0 s5, $0x0  }
0x1f: {  	s9 =	smul.u32 $0xF7A, s1;
	s8 =	simm.s32 @!p0 $0x1BF5;
	p2 =	por !p2, p0  }
0x20: {  	[sflag:s8] =	ssyncset.s32 @!p0 $0xFFFFF086;
	s6 =	sadd.s32 @!p0 s3, s7;
	s7 =	simm.s32 @!p0 $0x108  }
0x21: {  	s3 =	sadd.s32 s3, s9;
	s6 =	sadd.s32 @!p0 $0x88, s6;
	s7 =	simm.s32 @p2 $0x1082  }
0x22: {  	[simem:s7], [sflag:s8] =	dma.local @!p0 [hbm:s6], $0xF7A  }
0x23: {  	s9 =	sor.u32 $0xD0000000, s2;
	s6 =	simm.s32 $0x108;
	_ =	swait.ge @!p0 [sflag:s8], $0x0  }
0x24: {  	s3 =	sadd.s32 $0x88, s3;
	s6 =	simm.s32 @!p1 $0x1082;
	[sflag:s4] =	ssyncset.s32 $0xFFFFF086  }
0x25: {  	[simem:s6], [sflag:s4] =	dma.local [hbm:s3], $0xF7A  }
0x26: {  	[smem:$0x3F99] =	sst s1;
	(tag) =	ssettag s2;
	_ =	strace s9  }
0x27: {  	s1 =	sld [smem:$0x3FA9]  }
0x28: {  	s2 =	sld [smem:$0x3FAA]  }
0x29: {  	s4 =	sld [smem:$0x3FAC]  }
0x2a: {  	p0 =	seq.s32 s5, $0x0;
	s5 =	sld [smem:$0x3FAD]  }
0x2b: {  	s6 =	sld [smem:$0x3FAE]  }
0x2c: {  	s7 =	sld [smem:$0x3FAF]  }
0x2d: {  	s3 =	simm.s32 $0x108;
	s8 =	sld [smem:$0x3FB0]  }
0x2e: {  	s3 =	simm.s32 @!p0 $0x1082;
	s9 =	sld [smem:$0x3FB1]  }
0x2f: {  	lr =	sadd.s32 s0, s3;
	s0 =	sld [smem:$0x3FA8]  }
0x30: {  	s3 =	sld [smem:$0x3FAB]  }
0x31: {  	[smem:$0x3FB4] =	sst s10  }
0x32: {  	s10 =	sld [smem:$0x3FB2];
	_ =	sdelay $0x3  }
0x33: {  	p0 =	seq.s32 s10, $0x1;
	s10 =	sld [smem:$0x3FB4];
	_ =	sdelay $0x3  }
0x34: {  	[smem:$0x3FB4] =	sst s10  }
0x35: {  	s10 =	sld [smem:$0x3FB3];
	_ =	sdelay $0x3  }
0x36: {  	p1 =	seq.s32 s10, $0x1;
	s10 =	sld [smem:$0x3FB4];
	_ =	sdelay $0x3  }
0x37: {  	[smem:$0x3FB4] =	sst s10  }
0x38: {  	s10 =	sld [smem:$0x3FB5]  }
0x39: {  	_ = 	snop;
	(pc) =	sbr.ind lr, $3  }
0x3a: {  	_ = 	snop  }
0x3b: {  	_ = 	snop  }
0x3c: {  	p2 =	seq.s32 s10, $0x1;
	s10 =	sld [smem:$0x3FB4]  }
0x3d: {  	_ =	shalt  }
0x3e: {  	_ =	shalt  }
0x3f: {  	_ =	shalt  }
0x40: {  	_ =	shalt  }
0x41: {  	_ =	shalt  }
0x42: {  	_ =	shalt  }
0x43: {  	_ =	shalt  }
0x44: {  	_ =	shalt  }
0x45: {  	_ =	shalt  }
0x46: {  	_ =	shalt  }
0x47: {  	_ =	shalt  }
0x48: {  	_ =	shalt  }
0x49: {  	_ =	shalt  }
0x4a: {  	_ =	shalt  }
0x4b: {  	_ =	shalt  }
0x4c: {  	_ =	shalt  }
0x4d: {  	_ =	shalt  }
0x4e: {  	_ =	shalt  }
0x4f: {  	_ =	shalt  }
0x50: {  	_ =	shalt  }
0x51: {  	_ =	shalt  }
0x52: {  	_ =	shalt  }
0x53: {  	_ =	shalt  }
0x54: {  	_ =	shalt  }
0x55: {  	_ =	shalt  }
0x56: {  	_ =	shalt  }
0x57: {  	_ =	shalt  }
0x58: {  	_ =	shalt  }
0x59: {  	_ =	shalt  }
0x5a: {  	_ =	shalt  }
0x5b: {  	_ =	shalt  }
0x5c: {  	_ =	shalt  }
0x5d: {  	_ =	shalt  }
0x5e: {  	_ =	shalt  }
0x5f: {  	_ =	shalt  }
0x60: {  	_ =	shalt  }
0x61: {  	_ =	shalt  }
0x62: {  	_ =	shalt  }
0x63: {  	_ =	shalt  }
0x64: {  	_ =	shalt  }
0x65: {  	_ =	shalt  }
0x66: {  	_ =	shalt  }
0x67: {  	_ =	shalt  }
0x68: {  	_ =	shalt  }
0x69: {  	_ =	shalt  }
0x6a: {  	_ =	shalt  }
0x6b: {  	_ =	shalt  }
0x6c: {  	_ =	shalt  }
0x6d: {  	_ =	shalt  }
0x6e: {  	_ =	shalt  }
0x6f: {  	_ =	shalt  }
0x70: {  	_ =	shalt  }
0x71: {  	_ =	shalt  }
0x72: {  	_ =	shalt  }
0x73: {  	_ =	shalt  }
0x74: {  	_ =	shalt  }
0x75: {  	_ =	shalt  }
0x76: {  	_ =	shalt  }
0x77: {  	_ =	shalt  }
0x78: {  	_ =	shalt  }
0x79: {  	_ =	shalt  }
0x7a: {  	_ =	shalt  }
0x7b: {  	_ =	shalt  }
0x7c: {  	_ =	shalt  }
0x7d: {  	_ =	shalt  }
0x7e: {  	_ =	shalt  }
0x7f: {  	_ =	shalt  }
0x80: {  	_ =	shalt  }
0x81: {  	_ =	shalt  }
0x82: {  	_ =	shalt  }
0x83: {  	_ =	shalt  }
0x84: {  	_ =	shalt  }
0x85: {  	_ =	shalt  }
0x86: {  	_ =	shalt  }
0x87: {  	_ =	shalt  }
.Lfunc_end0:
.L_simem_size_0:
called_computation.1_lowered:
.L_overlay_start_0:
0x88: {  	s2 =	sld [smem:$0x3FD9]  }
0x89: {  	s3 =	sld [smem:$0x3FFE];
	_ =	sdelay $0x1  }
0x8a: {  	s1 =	srdreg.scid  }
0x8b: {  	s0 =	sand.u32 $0x1, s1  }
0x8c: {  	s17 =	sshll.u32 s0, $0xA;
	s2 =	sadd.s32 s3, s2  }
0x8d: {  	s2 =	sadd.s32 s2, s17  }
0x8e: {  	[smem:$0x3FC0] =	sst s2  }
0x8f: {  	_ = 	snop  }
0x90: {  	s2 =	sld [smem:$0x3FD0];
	(tm) =	ssettm $0x1  }
0x91: {  	s18 =	sld [smem:$0x3FFB];
	_ =	sdelay $0x3  }
0x92: {  	_ =	strace s18  }
0x93: {  	s3 =	sld [smem:$0x3FFC];
	_ =	sdelay $0x3  }
0x94: {  	_ =	strace s3  }
0x95: {  	s3 =	sld [smem:$0x3FFD];
	_ =	sdelay $0x3  }
0x96: {  	_ =	strace s3  }
0x97: {  	_ =	strace $0x8FFFFFFF  }
0x98: {  	s19 =	sld [smem:$0x3FDB];
	_ =	sdelay $0x1  }
0x99: {  	s4 =	simm.s32 $_scs_section_size  }
0x9a: {  	s5 =	simm.s32 $_size__tile_overlayer_lowered;
	s6 =	simm.s32 $_tile_overlayer_lowered  }
0x9b: {  	s22 =	simm.s32 $0x1BFF;
	s21 =	sshll.u32 s6, $0x1;
	s3 =	sadd.s32 s4, s19  }
0x9c: {  	s7 =	simm.s32 $0x0;
	s20 =	sshll.u32 s5, $0x1;
	s5 =	sadd.s32 s21, s3  }
0x9d: {  	[timem:s7], [sflag:s22] =	dma.local [hbm:s5], s20  }
0x9e: {  	_ =	swait.ge [sflag:s22], s20  }
0x9f: {  	s4 =	ssub.s32 $0x0, s20;
	[sflag:s22] =	ssyncset.done $0x0  }
0xa0: {  	[sflag:s22] =	ssyncadd.s32 s4;
	_ =	sdelay $0x1  }
0xa1: {  	s23 =	simm.s32 $0x1B8B  }
0xa2: {  	_ =	swait.ge [sflag:s23], $0x1  }
0xa3: {  	[sflag:s23] =	ssyncset.done $0x0  }
0xa4: {  	s25 =	simm.s32 $0x1B8E;
	s24 =	sld [smem:$0x3FFE];
	[sflag:s23] =	ssyncadd.s32 $0xFFFFFFFF  }
0xa5: {  	s26 =	simm.s32 $execute0_lowered;
	[smem:$0x3FD2] =	sst s25  }
0xa6: {  	s5 =	sshll.u32 s26, $0x1;
	_ =	strace $0x80000049;
	[dreg:$0x1] =	wrdreg $0xFFFFFFFF  }
0xa7: {  	s28 =	simm.s32 $_size_execute0_lowered;
	s3 =	sadd.s32 s3, s5;
	[dreg:$0x0] =	wrdreg $0x0  }
0xa8: {  	s5 =	sshll.u32 s28, $0x1;
	[dreg:$0x2] =	wrdreg s3  }
0xa9: {  	[dreg:$0x3] =	wrdreg s5  }
0xaa: {  	[dreg:$0x4] =	wrdreg $0xC0  }
0xab: {  	_ =	task [dreg:s7], $0x5FFFF  }
0xac: {  	[dreg:$0x1] =	wrdreg $0xFFFFFFFF  }
0xad: {  	[dreg:$0x0] =	wrdreg $0x60  }
0xae: {  	[dreg:$0x2] =	wrdreg s24  }
0xaf: {  	[dreg:$0x3] =	wrdreg s2  }
0xb0: {  	[dreg:$0x4] =	wrdreg $0x81000  }
0xb1: {  	[dreg:$0x5] =	wrdreg $0x9  }
0xb2: {  	_ =	task.clear_ibuf [dreg:s7], $0x6FFFF;
	_ =	strace $0x90000049  }
0xb3: {  	s29 =	simm.s32 $0x9;
	_ =	strace $0x8000004B  }
0xb4: {  	_ =	swait.ge [sflag:s29], $0x1  }
0xb5: {  	[sflag:s29] =	ssyncadd.s32 $0xFFFFFFFF  }
0xb6: {  	_ =	strace $0x9000004B  }
0xb7: {  	_ =	sfence  }
0xb8: {  	s30 =	sld [smem:$0x0];
	_ =	sdelay $0x2  }
0xb9: {  	s31 =	sshll.u32 s1, $0xD;
	s1 =	sshrl.u32 s1, $0x2  }
0xba: {  	s3 =	sand.u32 $0x4000, s31;
	s1 =	sadd.s32 s1, s30  }
0xbb: {  	s0 =	sor.u32 s3, s0;
	s1 =	sshll.u32 s1, $0x11  }
0xbc: {  	s0 =	sor.u32 s1, s0  }
0xbd: {  	s0 =	sadd.s32 $0x8F2B, s0  }
0xbe: {  	[sflag:s0] =	ssyncadd.remote.s32 $0x1  }
0xbf: {  	_ =	sfence.sel $0xFFFF  }
0xc0: {  	[dreg:$0x0] =	wrdreg $0xFFFFFFFF;
	(pc) =	sbr.abs _section_cstart, $3  }
0xc1: {  	[dreg:$0x1] =	wrdreg $0xFFFFFFFF  }
0xc2: {  	_ =	task.clear_ibuf [dreg:s7], $0x2FFFF;
	_ =	strace $0x9FFFFFFF  }
0xc3: {  	(tm) =	ssettm $0x7FFFFFFF  }
tec
execute0_lowered:
.L_overlay_start_1:
0x0: {  	(tag) =	ssettag $0x1  }
0x1: {  	s5 =	rddreg [dreg:$0x0]  }
0x2: {  	s1 =	rddreg [dreg:$0x1]  }
0x3: {  	s2 =	rddreg [dreg:$0x2]  }
0x4: {  	s3 =	srdreg.scid;
	s0 =	rddreg [dreg:$0x3];
	s4 =	simm.s32 $0x0  }
0x5: {  	s15 =	simm.s32 $0x4100;
	s6 =	sand.u32 $0x1, s3;
	s3 =	stileid.u32  }
0x6: {  	s16 =	simm.s32 $0x2;
	[smem:$0x7FF] =	sst s4;
	s7 =	smul.u32 $0x140000, s6  }
0x7: {  	s8 =	smul.u32 $0x14000, s3;
	_ =	strace $0x8000004A;
	s9 =	sshll.u32 s6, $0x8  }
0x8: {  	s28 =	smul.u32 $0x50000, s3;
	s29 =	ssub.s32 $0x2, s6;
	s14 =	sshll.u32 s6, $0x4  }
0x9: {  	s13 =	sshll.u32 s3, $0x4;
	s17 =	sshll.u32 s3, $0x6;
	s10 =	sadd.s32 s9, s5  }
0xa: {  	s30 =	sshrl.u32 s29, $0x1;
	s14 =	sor.u32 s14, s3;
	s7 =	sadd.s32 s8, s7  }
0xb: {  	s17 =	sor.u32 $0x1C02, s17;
	s31 =	sshrl.u32 s28, $0x2;
	s7 =	sshrl.u32 s7, $0x3  }
0xc: {  	s12 =	ssub.s32 s29, s30;
	s11 =	sadd.s32 s7, s5;
	s5 =	sadd.s32 s31, s2  }
0xd: {  	s13 =	sadd.s32 s13, s10;
	s6 =	sadd.s32 $0x4000, s5;
	s7 =	sadd.s32 $0x8000, s5  }
0xe: {  	s8 =	sadd.s32 $0xC000, s5;
	s9 =	sadd.s32 $0x10000, s5;
	s10 =	sadd.s32 $0x15600, s11  }
0xf: {  	v0 =	vimm.f32 $0.0e+00;
	s11 =	smax.u32 s12, $0x1;
	s12 =	sadd.s32 $0x1A00, s13;
	s13 =	sadd.s32 $0xB800, s13  }
.LBB2_1:
0x10: {  	s18 =	simm.s32 $0x0;
	s19 =	simm.s32 $0x200  }
.LBB2_2:
0x11: {  	p0 =	sne.s32 s19, $0xFE00;
	[tilespmem:s18+$0x4170] =	vst v0  }
0x12: {  	[tilespmem:s18+$0x4100] =	vst v0  }
0x13: {  	[tilespmem:s18+$0x4110] =	vst v0  }
.Ltmp0:
0x14: {  	[tilespmem:s18+$0x4120] =	vst v0;
	(pc) =	sbr.rel @p0 .LBB2_2-.Ltmp0, $4  }
0x15: {  	[tilespmem:s18+$0x4130] =	vst v0  }
0x16: {  	[tilespmem:s18+$0x4140] =	vst v0  }
0x17: {  	[tilespmem:s18+$0x4150] =	vst v0  }
0x18: {  	[tilespmem:s18+$0x4160] =	vst v0;
	s18 =	sshra.s32 s19, $0x2;
	s19 =	sadd.s32 $0x200, s19  }
0x19: {  	[tilespmem:s18+$0x4170] =	vst v0  }
0x1a: {  	[tilespmem:s18+$0x4100] =	vst v0  }
0x1b: {  	[tilespmem:s18+$0x4110] =	vst v0  }
0x1c: {  	[tilespmem:s18+$0x4120] =	vst v0  }
0x1d: {  	[tilespmem:s18+$0x4130] =	vst v0  }
0x1e: {  	[tilespmem:s18+$0x4140] =	vst v0  }
0x1f: {  	[tilespmem:s18+$0x4150] =	vst v0  }
0x20: {  	[tilespmem:s18+$0x4160] =	vst v0  }
0x21: {  	[spmem:s5] =	stream.linear.scatter [tilespmem:s15], [sflag:$0x2], $0x4000, $0x38;
	[tilespmem:$0x1C100] =	vst v63  }
0x22: {  	_ =	swait.ge [sflag:s16], $0x4000  }
0x23: {  	[sflag:s16] =	ssyncset.done $0x0  }
0x24: {  	[sflag:s16] =	ssyncadd.s32 $0xFFFFC000  }
0x25: {  	[spmem:s6] =	stream.linear.scatter [tilespmem:s15], [sflag:$0x2], $0x4000, $0x38;
	[tilespmem:$0x1C100] =	vst v63  }
0x26: {  	_ =	swait.ge [sflag:s16], $0x4000  }
0x27: {  	[sflag:s16] =	ssyncset.done $0x0  }
0x28: {  	[sflag:s16] =	ssyncadd.s32 $0xFFFFC000  }
0x29: {  	[spmem:s7] =	stream.linear.scatter [tilespmem:s15], [sflag:$0x2], $0x4000, $0x38;
	[tilespmem:$0x1C100] =	vst v63  }
0x2a: {  	_ =	swait.ge [sflag:s16], $0x4000  }
0x2b: {  	[sflag:s16] =	ssyncset.done $0x0  }
0x2c: {  	[sflag:s16] =	ssyncadd.s32 $0xFFFFC000  }
0x2d: {  	[spmem:s8] =	stream.linear.scatter [tilespmem:s15], [sflag:$0x2], $0x4000, $0x38;
	[tilespmem:$0x1C100] =	vst v63  }
0x2e: {  	_ =	swait.ge [sflag:s16], $0x4000  }
0x2f: {  	[sflag:s16] =	ssyncset.done $0x0  }
0x30: {  	[sflag:s16] =	ssyncadd.s32 $0xFFFFC000  }
0x31: {  	[spmem:s9] =	stream.linear.scatter [tilespmem:s15], [sflag:$0x2], $0x4000, $0x38;
	[tilespmem:$0x1C100] =	vst v63  }
0x32: {  	_ =	swait.ge [sflag:s16], $0x4000  }
0x33: {  	p0 =	sgt.u32 s14, $0x9C3;
	[sflag:s16] =	ssyncset.done $0x0  }
0x34: {  	s18 =	sadd.s32 @!p0 $0x0, s13;
	[sflag:s16] =	ssyncadd.s32 $0xFFFFC000  }
0x35: {  	s19 =	simm.s32 @!p0 $0x0;
	s20 =	simm.s32 @!p0 $0x3;
	[bflag:$0x0] =	sbarrier.arrive $0xFFFF  }
0x36: {  	[tilespmem:s19], [sflag:$0x3] =	stream.linear.gather @!p0 [hbm4b:s18+s19], $0x80, $0x38;
	[tilespmem:$0x1C100] =	vst v63  }
0x37: {  	_ =	swait.ge @!p0 [sflag:s20], $0x80;
	p0 =	por p0, p0  }
0x38: {  	[sflag:s20] =	ssyncset.done @!p0 $0x0  }
0x39: {  	s18 =	sadd.s32 @!p0 $0x0, s12;
	s21 =	simm.s32 @!p0 $0x80;
	[sflag:s20] =	ssyncadd.s32 @!p0 $0xFFFFFF80  }
0x3a: {  	[tilespmem:s21], [sflag:$0x3] =	stream.linear.gather @!p0 [hbm4b:s18+s19], $0x80, $0x38;
	[tilespmem:$0x1C100] =	vst v63  }
0x3b: {  	_ =	swait.ge @!p0 [sflag:s20], $0x80  }
0x3c: {  	[sflag:s20] =	ssyncset.done @!p0 $0x0  }
0x3d: {  	s18 =	simm.s32 @!p0 $0x100;
	[sflag:s20] =	ssyncadd.s32 @!p0 $0xFFFFFF80;
	s20 =	simm.s32 @!p0 $0x1  }
0x3e: {  	[tilespmem:s18], [sflag:$0x1] =	stream.indirect.gather @!p0 [hbm4b:s1+s21], $0x80, s19, s21, $0xb8;
	[tilespmem:$0x1C100] =	vst v63  }
0x3f: {  	_ =	swait.ge @!p0 [sflag:s20], $0x4000  }
0x40: {  	[sflag:s20] =	ssyncset.done @!p0 $0x0  }
0x41: {  	s19 =	sadd.s32 $0x20, s14;
	[sflag:s20] =	ssyncadd.s32 @!p0 $0xFFFFC000  }
0x42: {  	[spmem:s2] =	stream.indirect.scatter.add.f32 @!p0 [tilespmem:s18], [sflag:$0x2], $0x80, s21, s21, $0xb8;
	[tilespmem:$0x1C100] =	vst v63  }
0x43: {  	p2 =	sgt.u32 s19, $0x9C3;
	s21 =	simm.s32 @!p0 $0x2  }
0x44: {  	s20 =	simm.s32 $0x400;
	s18 =	simm.s32 $0x200;
	_ =	swait.ge @!p0 [sflag:s21], $0x4000  }
.LBB2_4:
0x45: {  	s22 =	sadd.s32 @!p2 s18, s13  }
0x46: {  	s23 =	simm.s32 @!p2 $0x0;
	[sflag:s21] =	ssyncset.done @!p0 $0x0;
	s24 =	smov.u32 s20  }
0x47: {  	s20 =	sadd.s32 $0x200, s20;
	s25 =	simm.s32 @!p2 $0x3;
	[sflag:s21] =	ssyncadd.s32 @!p0 $0xFFFFC000  }
0x48: {  	[tilespmem:s23], [sflag:$0x3] =	stream.linear.gather @!p2 [hbm4b:s22+s23], $0x80, $0x38;
	[tilespmem:$0x1C100] =	vst v63  }
0x49: {  	p1 =	sne.s32 s20, $0x9E00;
	p0 =	por p2, p2;
	_ =	swait.ge @!p2 [sflag:s25], $0x80  }
0x4a: {  	[sflag:s25] =	ssyncset.done @!p0 $0x0  }
0x4b: {  	s18 =	sadd.s32 @!p0 s18, s12;
	s22 =	simm.s32 @!p0 $0x80;
	[sflag:s25] =	ssyncadd.s32 @!p0 $0xFFFFFF80  }
0x4c: {  	[tilespmem:s22], [sflag:$0x3] =	stream.linear.gather @!p0 [hbm4b:s18+s23], $0x80, $0x38;
	[tilespmem:$0x1C100] =	vst v63  }
0x4d: {  	s18 =	smov.u32 s24;
	_ =	swait.ge @!p0 [sflag:s25], $0x80  }
0x4e: {  	[sflag:s25] =	ssyncset.done @!p0 $0x0  }
0x4f: {  	s21 =	simm.s32 @!p0 $0x1;
	s24 =	simm.s32 @!p0 $0x100;
	[sflag:s25] =	ssyncadd.s32 @!p0 $0xFFFFFF80  }
0x50: {  	[tilespmem:s24], [sflag:$0x1] =	stream.indirect.gather @!p0 [hbm4b:s1+s22], $0x80, s23, s22, $0xb8;
	[tilespmem:$0x1C100] =	vst v63  }
.Ltmp1:
0x51: {  	_ =	swait.ge @!p0 [sflag:s21], $0x4000;
	(pc) =	sbr.rel @p1 .LBB2_4-.Ltmp1, $4  }
0x52: {  	[sflag:s21] =	ssyncset.done @!p0 $0x0  }
0x53: {  	s19 =	sadd.s32 $0x20, s19;
	[sflag:s21] =	ssyncadd.s32 @!p0 $0xFFFFC000;
	s21 =	simm.s32 @!p0 $0x2  }
0x54: {  	[spmem:s2] =	stream.indirect.scatter.add.f32 @!p0 [tilespmem:s24], [sflag:$0x2], $0x80, s22, s22, $0xb8;
	[tilespmem:$0x1C100] =	vst v63  }
0x55: {  	p2 =	sgt.u32 s19, $0x9C3;
	_ =	swait.ge @!p0 [sflag:s21], $0x4000  }
0x56: {  	s19 =	sadd.s32 @!p2 s18, s13;
	[sflag:s21] =	ssyncset.done @!p0 $0x0  }
0x57: {  	s20 =	simm.s32 @!p2 $0x0;
	s22 =	simm.s32 @!p2 $0x3;
	[sflag:s21] =	ssyncadd.s32 @!p0 $0xFFFFC000  }
0x58: {  	[tilespmem:s20], [sflag:$0x3] =	stream.linear.gather @!p2 [hbm4b:s19+s20], $0x80, $0x38;
	[tilespmem:$0x1C100] =	vst v63  }
0x59: {  	p0 =	por p2, p2;
	_ =	swait.ge @!p2 [sflag:s22], $0x80  }
0x5a: {  	[sflag:s22] =	ssyncset.done @!p0 $0x0  }
0x5b: {  	s18 =	sadd.s32 @!p0 s18, s12;
	s19 =	simm.s32 @!p0 $0x80;
	[sflag:s22] =	ssyncadd.s32 @!p0 $0xFFFFFF80  }
0x5c: {  	[tilespmem:s19], [sflag:$0x3] =	stream.linear.gather @!p0 [hbm4b:s18+s20], $0x80, $0x38;
	[tilespmem:$0x1C100] =	vst v63  }
0x5d: {  	_ =	swait.ge @!p0 [sflag:s22], $0x80  }
0x5e: {  	[sflag:s22] =	ssyncset.done @!p0 $0x0  }
0x5f: {  	s21 =	simm.s32 @!p0 $0x1;
	s18 =	simm.s32 @!p0 $0x100;
	[sflag:s22] =	ssyncadd.s32 @!p0 $0xFFFFFF80  }
0x60: {  	[tilespmem:s18], [sflag:$0x1] =	stream.indirect.gather @!p0 [hbm4b:s1+s19], $0x80, s20, s19, $0xb8;
	[tilespmem:$0x1C100] =	vst v63  }
0x61: {  	_ =	swait.ge @!p0 [sflag:s21], $0x4000  }
0x62: {  	[sflag:s21] =	ssyncset.done @!p0 $0x0  }
0x63: {  	s20 =	simm.s32 @!p0 $0x2;
	[sflag:s21] =	ssyncadd.s32 @!p0 $0xFFFFC000  }
0x64: {  	[spmem:s2] =	stream.indirect.scatter.add.f32 @!p0 [tilespmem:s18], [sflag:$0x2], $0x80, s19, s19, $0xb8;
	[tilespmem:$0x1C100] =	vst v63  }
0x65: {  	_ =	swait.ge @!p0 [sflag:s20], $0x4000  }
0x66: {  	s4 =	sadd.s32 $0x1, s4;
	[sflag:s20] =	ssyncset.done @!p0 $0x0  }
0x67: {  	[sflag:s20] =	ssyncadd.s32 @!p0 $0xFFFFC000;
	p0 =	sne.s32 s4, s11  }
.Ltmp2:
0x68: {  	s31 =	sshrl.u32 s5, $0x3;
	[bflag:$0x0] =	sbarrier.arrive $0xFFFF;
	(pc) =	sbr.rel @p0 .LBB2_1-.Ltmp2, $4  }
0x69: {  	[hbm:s10], [sflag:s17] =	dma.local [spmem:s31], $0x2800  }
0x6a: {  	_ =	swait.ge [sflag:s16], $0x2800  }
0x6b: {  	[sflag:s16] =	ssyncset.done $0x0  }
0x6c: {  	[sflag:s16] =	ssyncadd.s32 $0xFFFFD800  }
0x6d: {  	_ =	sfence.sel $0x180000  }
0x6e: {  	[bflag:$0x0] =	sbarrier.arrive $0xFFFF  }
0x6f: {  	p0 =	sne.s32 s3, $0x0;
	_ =	strace $0x9000004A  }
0x70: {  	s0 =	sadd.s32 @!p0 $0x100000, s0;
	[bflag:$0x2] =	sbarrier.arrive $0xFFFF  }
0x71: {  	[sflag:s0] =	ssyncadd.tile.s32 @!p0 $0x1;
	_ =	shalt  }
.Lfunc_end2:
_tile_overlayer_lowered:
.L_overlay_start_2:
0x72: {  	(tag) =	ssettag $0x2  }
0x73: {  	s0 =	rddreg [dreg:$0x0];
	s2 =	stileid.u32  }
0x74: {  	s1 =	rddreg [dreg:$0x1];
	p0 =	sne.s32 s2, $0x0  }
0x75: {  	s3 =	rddreg [dreg:$0x2];
	[bflag:$0x3] =	sbarrier.arrive $0xFFFF;
	s2 =	simm.s32 @!p0 $0x1C02  }
0x76: {  	[timem:s3], [sflag:s2] =	dma.local @!p0 [hbm:s0], s1  }
0x77: {  	s0 =	simm.s32 @!p0 $0x2  }
0x78: {  	_ =	swait.ge @!p0 [sflag:s0], s1  }
0x79: {  	s1 =	ssub.s32 @!p0 $0x0, s1;
	[sflag:s0] =	ssyncset.done @!p0 $0x0  }
0x7a: {  	[sflag:s0] =	ssyncadd.s32 @!p0 s1  }
0x7b: {  	[bflag:$0x3] =	sbarrier.arrive $0xFFFF  }
0x7c: {  	_ =	shalt  }

// kernel: kernel.14.cloned.1.call-start
scs
__scs_entry_jumppad:
0x0: {  	(pc) =	sbr.rel $0x88, $3  }
0x1: {  	(tag) =	ssettag $0x0;
	lr =	simm.s32 $0x1  }
0x2: {  	[smem:$0x3F99] =	sst lr;
	_ =	strace $0xD0000000  }
0x3: {  	_ = 	snop  }
0x4: {  	_ = 	snop  }
0x5: {  	_ = 	snop  }
0x6: {  	_ = 	snop  }
0x7: {  	_ = 	snop  }
__scs_overlays_trampoline_lowered:
0x8: {  	[smem:$0x3FA8] =	sst s0  }
0x9: {  	[smem:$0x3FA9] =	sst s1  }
0xa: {  	[smem:$0x3FAA] =	sst s2  }
0xb: {  	[smem:$0x3FAB] =	sst s3  }
0xc: {  	[smem:$0x3FAC] =	sst s4  }
0xd: {  	[smem:$0x3FAD] =	sst s5  }
0xe: {  	[smem:$0x3FAE] =	sst s6  }
0xf: {  	[smem:$0x3FAF] =	sst s7  }
0x10: {  	[smem:$0x3FB0] =	sst s8  }
0x11: {  	[smem:$0x3FB1] =	sst s9;
	s0 =	simm.s32 @!p0 $0x0  }
0x12: {  	s1 =	sld [smem:$0x3F97];
	s0 =	simm.s32 @p0 $0x1  }
0x13: {  	[smem:$0x3FB2] =	sst s0;
	s0 =	simm.s32 @!p1 $0x0  }
0x14: {  	s2 =	sld [smem:$0x3F96];
	s0 =	simm.s32 @p1 $0x1  }
0x15: {  	[smem:$0x3FB3] =	sst s0;
	s0 =	simm.s32 @!p2 $0x0  }
0x16: {  	s3 =	sld [smem:$0x3FDB];
	s0 =	simm.s32 @p2 $0x1  }
0x17: {  	s4 =	simm.s32 $0x1BF5;
	[smem:$0x3FB5] =	sst s0  }
0x18: {  	s0 =	sld [smem:$0x3F98];
	_ =	swait.ge [sflag:s4], $0x0  }
0x19: {  	s7 =	sld [smem:$0x3F99]  }
0x1a: {  	s8 =	sadd.s32 $0xFFFFE003, lr  }
0x1b: {  	s9 =	sadd.s32 $0xFFFFFEF7, lr;
	s5 =	simm.s32 $0xFFFFFFFF;
	p2 =	slt.u32 s8, $0xFFFFF086  }
0x1c: {  	p1 =	slt.u32 s9, $0xF7A;
	s5 =	simm.s32 @!p2 $0x0  }
0x1d: {  	s5 =	simm.s32 @p1 $0x1;
	p0 =	seq.s32 s7, s2  }
0x1e: {  	s7 =	smul.u32 @!p0 $0xF7A, s2;
	p2 =	seq.s32 @!p0 s5, $0x0  }
0x1f: {  	s9 =	smul.u32 $0xF7A, s1;
	s8 =	simm.s32 @!p0 $0x1BF5;
	p2 =	por !p2, p0  }
0x20: {  	[sflag:s8] =	ssyncset.s32 @!p0 $0xFFFFF086;
	s6 =	sadd.s32 @!p0 s3, s7;
	s7 =	simm.s32 @!p0 $0x108  }
0x21: {  	s3 =	sadd.s32 s3, s9;
	s6 =	sadd.s32 @!p0 $0x88, s6;
	s7 =	simm.s32 @p2 $0x1082  }
0x22: {  	[simem:s7], [sflag:s8] =	dma.local @!p0 [hbm:s6], $0xF7A  }
0x23: {  	s9 =	sor.u32 $0xD0000000, s2;
	s6 =	simm.s32 $0x108;
	_ =	swait.ge @!p0 [sflag:s8], $0x0  }
0x24: {  	s3 =	sadd.s32 $0x88, s3;
	s6 =	simm.s32 @!p1 $0x1082;
	[sflag:s4] =	ssyncset.s32 $0xFFFFF086  }
0x25: {  	[simem:s6], [sflag:s4] =	dma.local [hbm:s3], $0xF7A  }
0x26: {  	[smem:$0x3F99] =	sst s1;
	(tag) =	ssettag s2;
	_ =	strace s9  }
0x27: {  	s1 =	sld [smem:$0x3FA9]  }
0x28: {  	s2 =	sld [smem:$0x3FAA]  }
0x29: {  	s4 =	sld [smem:$0x3FAC]  }
0x2a: {  	p0 =	seq.s32 s5, $0x0;
	s5 =	sld [smem:$0x3FAD]  }
0x2b: {  	s6 =	sld [smem:$0x3FAE]  }
0x2c: {  	s7 =	sld [smem:$0x3FAF]  }
0x2d: {  	s3 =	simm.s32 $0x108;
	s8 =	sld [smem:$0x3FB0]  }
0x2e: {  	s3 =	simm.s32 @!p0 $0x1082;
	s9 =	sld [smem:$0x3FB1]  }
0x2f: {  	lr =	sadd.s32 s0, s3;
	s0 =	sld [smem:$0x3FA8]  }
0x30: {  	s3 =	sld [smem:$0x3FAB]  }
0x31: {  	[smem:$0x3FB4] =	sst s10  }
0x32: {  	s10 =	sld [smem:$0x3FB2];
	_ =	sdelay $0x3  }
0x33: {  	p0 =	seq.s32 s10, $0x1;
	s10 =	sld [smem:$0x3FB4];
	_ =	sdelay $0x3  }
0x34: {  	[smem:$0x3FB4] =	sst s10  }
0x35: {  	s10 =	sld [smem:$0x3FB3];
	_ =	sdelay $0x3  }
0x36: {  	p1 =	seq.s32 s10, $0x1;
	s10 =	sld [smem:$0x3FB4];
	_ =	sdelay $0x3  }
0x37: {  	[smem:$0x3FB4] =	sst s10  }
0x38: {  	s10 =	sld [smem:$0x3FB5]  }
0x39: {  	_ = 	snop;
	(pc) =	sbr.ind lr, $3  }
0x3a: {  	_ = 	snop  }
0x3b: {  	_ = 	snop  }
0x3c: {  	p2 =	seq.s32 s10, $0x1;
	s10 =	sld [smem:$0x3FB4]  }
0x3d: {  	_ =	shalt  }
0x3e: {  	_ =	shalt  }
0x3f: {  	_ =	shalt  }
0x40: {  	_ =	shalt  }
0x41: {  	_ =	shalt  }
0x42: {  	_ =	shalt  }
0x43: {  	_ =	shalt  }
0x44: {  	_ =	shalt  }
0x45: {  	_ =	shalt  }
0x46: {  	_ =	shalt  }
0x47: {  	_ =	shalt  }
0x48: {  	_ =	shalt  }
0x49: {  	_ =	shalt  }
0x4a: {  	_ =	shalt  }
0x4b: {  	_ =	shalt  }
0x4c: {  	_ =	shalt  }
0x4d: {  	_ =	shalt  }
0x4e: {  	_ =	shalt  }
0x4f: {  	_ =	shalt  }
0x50: {  	_ =	shalt  }
0x51: {  	_ =	shalt  }
0x52: {  	_ =	shalt  }
0x53: {  	_ =	shalt  }
0x54: {  	_ =	shalt  }
0x55: {  	_ =	shalt  }
0x56: {  	_ =	shalt  }
0x57: {  	_ =	shalt  }
0x58: {  	_ =	shalt  }
0x59: {  	_ =	shalt  }
0x5a: {  	_ =	shalt  }
0x5b: {  	_ =	shalt  }
0x5c: {  	_ =	shalt  }
0x5d: {  	_ =	shalt  }
0x5e: {  	_ =	shalt  }
0x5f: {  	_ =	shalt  }
0x60: {  	_ =	shalt  }
0x61: {  	_ =	shalt  }
0x62: {  	_ =	shalt  }
0x63: {  	_ =	shalt  }
0x64: {  	_ =	shalt  }
0x65: {  	_ =	shalt  }
0x66: {  	_ =	shalt  }
0x67: {  	_ =	shalt  }
0x68: {  	_ =	shalt  }
0x69: {  	_ =	shalt  }
0x6a: {  	_ =	shalt  }
0x6b: {  	_ =	shalt  }
0x6c: {  	_ =	shalt  }
0x6d: {  	_ =	shalt  }
0x6e: {  	_ =	shalt  }
0x6f: {  	_ =	shalt  }
0x70: {  	_ =	shalt  }
0x71: {  	_ =	shalt  }
0x72: {  	_ =	shalt  }
0x73: {  	_ =	shalt  }
0x74: {  	_ =	shalt  }
0x75: {  	_ =	shalt  }
0x76: {  	_ =	shalt  }
0x77: {  	_ =	shalt  }
0x78: {  	_ =	shalt  }
0x79: {  	_ =	shalt  }
0x7a: {  	_ =	shalt  }
0x7b: {  	_ =	shalt  }
0x7c: {  	_ =	shalt  }
0x7d: {  	_ =	shalt  }
0x7e: {  	_ =	shalt  }
0x7f: {  	_ =	shalt  }
0x80: {  	_ =	shalt  }
0x81: {  	_ =	shalt  }
0x82: {  	_ =	shalt  }
0x83: {  	_ =	shalt  }
0x84: {  	_ =	shalt  }
0x85: {  	_ =	shalt  }
0x86: {  	_ =	shalt  }
0x87: {  	_ =	shalt  }
.Lfunc_end0:
.L_simem_size_0:
called_computation.2_lowered:
.L_overlay_start_0:
0x88: {  	s2 =	sld [smem:$0x3FD9]  }
0x89: {  	s3 =	sld [smem:$0x3FFE];
	_ =	sdelay $0x1  }
0x8a: {  	s1 =	srdreg.scid  }
0x8b: {  	s0 =	sand.u32 $0x1, s1  }
0x8c: {  	s17 =	sshll.u32 s0, $0xA;
	s2 =	sadd.s32 s3, s2  }
0x8d: {  	s2 =	sadd.s32 s2, s17  }
0x8e: {  	[smem:$0x3FC0] =	sst s2  }
0x8f: {  	_ = 	snop  }
0x90: {  	s2 =	sld [smem:$0x3FD0];
	(tm) =	ssettm $0x1  }
0x91: {  	s18 =	sld [smem:$0x3FFB];
	_ =	sdelay $0x3  }
0x92: {  	_ =	strace s18  }
0x93: {  	s3 =	sld [smem:$0x3FFC];
	_ =	sdelay $0x3  }
0x94: {  	_ =	strace s3  }
0x95: {  	s3 =	sld [smem:$0x3FFD];
	_ =	sdelay $0x3  }
0x96: {  	_ =	strace s3  }
0x97: {  	_ =	strace $0x8FFFFFFF  }
0x98: {  	s19 =	sld [smem:$0x3FDB];
	_ =	sdelay $0x1  }
0x99: {  	s4 =	simm.s32 $_scs_section_size  }
0x9a: {  	s5 =	simm.s32 $_size__tile_overlayer_lowered;
	s6 =	simm.s32 $_tile_overlayer_lowered  }
0x9b: {  	s22 =	simm.s32 $0x1BFF;
	s21 =	sshll.u32 s6, $0x1;
	s3 =	sadd.s32 s4, s19  }
0x9c: {  	s7 =	simm.s32 $0x0;
	s20 =	sshll.u32 s5, $0x1;
	s5 =	sadd.s32 s21, s3  }
0x9d: {  	[timem:s7], [sflag:s22] =	dma.local [hbm:s5], s20  }
0x9e: {  	_ =	swait.ge [sflag:s22], s20  }
0x9f: {  	s4 =	ssub.s32 $0x0, s20;
	[sflag:s22] =	ssyncset.done $0x0  }
0xa0: {  	[sflag:s22] =	ssyncadd.s32 s4;
	_ =	sdelay $0x1  }
0xa1: {  	s23 =	simm.s32 $0x1B8B  }
0xa2: {  	_ =	swait.ge [sflag:s23], $0x1  }
0xa3: {  	[sflag:s23] =	ssyncset.done $0x0  }
0xa4: {  	s25 =	simm.s32 $0x1B8E;
	s24 =	sld [smem:$0x3FFE];
	[sflag:s23] =	ssyncadd.s32 $0xFFFFFFFF  }
0xa5: {  	s26 =	simm.s32 $execute0_lowered;
	[smem:$0x3FD2] =	sst s25  }
0xa6: {  	s5 =	sshll.u32 s26, $0x1;
	_ =	strace $0x8000004C;
	[dreg:$0x1] =	wrdreg $0xFFFFFFFF  }
0xa7: {  	s28 =	simm.s32 $_size_execute0_lowered;
	s3 =	sadd.s32 s3, s5;
	[dreg:$0x0] =	wrdreg $0x0  }
0xa8: {  	s5 =	sshll.u32 s28, $0x1;
	[dreg:$0x2] =	wrdreg s3  }
0xa9: {  	[dreg:$0x3] =	wrdreg s5  }
0xaa: {  	[dreg:$0x4] =	wrdreg $0xC0  }
0xab: {  	_ =	task [dreg:s7], $0x5FFFF  }
0xac: {  	[dreg:$0x1] =	wrdreg $0xFFFFFFFF  }
0xad: {  	[dreg:$0x0] =	wrdreg $0x60  }
0xae: {  	[dreg:$0x2] =	wrdreg s24  }
0xaf: {  	[dreg:$0x3] =	wrdreg s2  }
0xb0: {  	[dreg:$0x4] =	wrdreg $0x81000  }
0xb1: {  	[dreg:$0x5] =	wrdreg $0x9  }
0xb2: {  	_ =	task.clear_ibuf [dreg:s7], $0x6FFFF;
	_ =	strace $0x9000004C  }
0xb3: {  	s29 =	simm.s32 $0x9;
	_ =	strace $0x8000004E  }
0xb4: {  	_ =	swait.ge [sflag:s29], $0x1  }
0xb5: {  	[sflag:s29] =	ssyncadd.s32 $0xFFFFFFFF  }
0xb6: {  	_ =	strace $0x9000004E  }
0xb7: {  	_ =	sfence  }
0xb8: {  	s30 =	sld [smem:$0x0];
	_ =	sdelay $0x2  }
0xb9: {  	s31 =	sshll.u32 s1, $0xD;
	s1 =	sshrl.u32 s1, $0x2  }
0xba: {  	s3 =	sand.u32 $0x4000, s31;
	s1 =	sadd.s32 s1, s30  }
0xbb: {  	s0 =	sor.u32 s3, s0;
	s1 =	sshll.u32 s1, $0x11  }
0xbc: {  	s0 =	sor.u32 s1, s0  }
0xbd: {  	s0 =	sadd.s32 $0x8F2B, s0  }
0xbe: {  	[sflag:s0] =	ssyncadd.remote.s32 $0x1  }
0xbf: {  	_ =	sfence.sel $0xFFFF  }
0xc0: {  	[dreg:$0x0] =	wrdreg $0xFFFFFFFF;
	(pc) =	sbr.abs _section_cstart, $3  }
0xc1: {  	[dreg:$0x1] =	wrdreg $0xFFFFFFFF  }
0xc2: {  	_ =	task.clear_ibuf [dreg:s7], $0x2FFFF;
	_ =	strace $0x9FFFFFFF  }
0xc3: {  	(tm) =	ssettm $0x7FFFFFFF  }
tec
execute0_lowered:
.L_overlay_start_1:
0x0: {  	(tag) =	ssettag $0x1  }
0x1: {  	s5 =	rddreg [dreg:$0x0]  }
0x2: {  	s1 =	rddreg [dreg:$0x1]  }
0x3: {  	s2 =	rddreg [dreg:$0x2]  }
0x4: {  	s3 =	srdreg.scid;
	s0 =	rddreg [dreg:$0x3];
	s4 =	simm.s32 $0x0  }
0x5: {  	s15 =	simm.s32 $0x4100;
	s6 =	sand.u32 $0x1, s3;
	s3 =	stileid.u32  }
0x6: {  	s16 =	simm.s32 $0x2;
	[smem:$0x7FF] =	sst s4;
	s7 =	smul.u32 $0x140000, s6  }
0x7: {  	s8 =	smul.u32 $0x14000, s3;
	_ =	strace $0x8000004D;
	s9 =	sshll.u32 s6, $0x8  }
0x8: {  	s28 =	smul.u32 $0x50000, s3;
	s29 =	ssub.s32 $0x2, s6;
	s14 =	sshll.u32 s6, $0x4  }
0x9: {  	s13 =	sshll.u32 s3, $0x4;
	s17 =	sshll.u32 s3, $0x6;
	s10 =	sadd.s32 s9, s5  }
0xa: {  	s30 =	sshrl.u32 s29, $0x1;
	s14 =	sor.u32 s14, s3;
	s7 =	sadd.s32 s8, s7  }
0xb: {  	s17 =	sor.u32 $0x1C02, s17;
	s31 =	sshrl.u32 s28, $0x2;
	s7 =	sshrl.u32 s7, $0x3  }
0xc: {  	s12 =	ssub.s32 s29, s30;
	s11 =	sadd.s32 s7, s5;
	s5 =	sadd.s32 s31, s2  }
0xd: {  	s13 =	sadd.s32 s13, s10;
	s6 =	sadd.s32 $0x4000, s5;
	s7 =	sadd.s32 $0x8000, s5  }
0xe: {  	s8 =	sadd.s32 $0xC000, s5;
	s9 =	sadd.s32 $0x10000, s5;
	s10 =	sadd.s32 $0x15600, s11  }
0xf: {  	v0 =	vimm.f32 $0.0e+00;
	s11 =	smax.u32 s12, $0x1;
	s12 =	sadd.s32 $0x1A00, s13;
	s13 =	sadd.s32 $0xB800, s13  }
.LBB2_1:
0x10: {  	s18 =	simm.s32 $0x0;
	s19 =	simm.s32 $0x200  }
.LBB2_2:
0x11: {  	p0 =	sne.s32 s19, $0xFE00;
	[tilespmem:s18+$0x4170] =	vst v0  }
0x12: {  	[tilespmem:s18+$0x4100] =	vst v0  }
0x13: {  	[tilespmem:s18+$0x4110] =	vst v0  }
.Ltmp0:
0x14: {  	[tilespmem:s18+$0x4120] =	vst v0;
	(pc) =	sbr.rel @p0 .LBB2_2-.Ltmp0, $4  }
0x15: {  	[tilespmem:s18+$0x4130] =	vst v0  }
0x16: {  	[tilespmem:s18+$0x4140] =	vst v0  }
0x17: {  	[tilespmem:s18+$0x4150] =	vst v0  }
0x18: {  	[tilespmem:s18+$0x4160] =	vst v0;
	s18 =	sshra.s32 s19, $0x2;
	s19 =	sadd.s32 $0x200, s19  }
0x19: {  	[tilespmem:s18+$0x4170] =	vst v0  }
0x1a: {  	[tilespmem:s18+$0x4100] =	vst v0  }
0x1b: {  	[tilespmem:s18+$0x4110] =	vst v0  }
0x1c: {  	[tilespmem:s18+$0x4120] =	vst v0  }
0x1d: {  	[tilespmem:s18+$0x4130] =	vst v0  }
0x1e: {  	[tilespmem:s18+$0x4140] =	vst v0  }
0x1f: {  	[tilespmem:s18+$0x4150] =	vst v0  }
0x20: {  	[tilespmem:s18+$0x4160] =	vst v0  }
0x21: {  	[spmem:s5] =	stream.linear.scatter [tilespmem:s15], [sflag:$0x2], $0x4000, $0x38;
	[tilespmem:$0x1C100] =	vst v63  }
0x22: {  	_ =	swait.ge [sflag:s16], $0x4000  }
0x23: {  	[sflag:s16] =	ssyncset.done $0x0  }
0x24: {  	[sflag:s16] =	ssyncadd.s32 $0xFFFFC000  }
0x25: {  	[spmem:s6] =	stream.linear.scatter [tilespmem:s15], [sflag:$0x2], $0x4000, $0x38;
	[tilespmem:$0x1C100] =	vst v63  }
0x26: {  	_ =	swait.ge [sflag:s16], $0x4000  }
0x27: {  	[sflag:s16] =	ssyncset.done $0x0  }
0x28: {  	[sflag:s16] =	ssyncadd.s32 $0xFFFFC000  }
0x29: {  	[spmem:s7] =	stream.linear.scatter [tilespmem:s15], [sflag:$0x2], $0x4000, $0x38;
	[tilespmem:$0x1C100] =	vst v63  }
0x2a: {  	_ =	swait.ge [sflag:s16], $0x4000  }
0x2b: {  	[sflag:s16] =	ssyncset.done $0x0  }
0x2c: {  	[sflag:s16] =	ssyncadd.s32 $0xFFFFC000  }
0x2d: {  	[spmem:s8] =	stream.linear.scatter [tilespmem:s15], [sflag:$0x2], $0x4000, $0x38;
	[tilespmem:$0x1C100] =	vst v63  }
0x2e: {  	_ =	swait.ge [sflag:s16], $0x4000  }
0x2f: {  	[sflag:s16] =	ssyncset.done $0x0  }
0x30: {  	[sflag:s16] =	ssyncadd.s32 $0xFFFFC000  }
0x31: {  	[spmem:s9] =	stream.linear.scatter [tilespmem:s15], [sflag:$0x2], $0x4000, $0x38;
	[tilespmem:$0x1C100] =	vst v63  }
0x32: {  	_ =	swait.ge [sflag:s16], $0x4000  }
0x33: {  	p0 =	sgt.u32 s14, $0x9C3;
	[sflag:s16] =	ssyncset.done $0x0  }
0x34: {  	s18 =	sadd.s32 @!p0 $0x0, s13;
	[sflag:s16] =	ssyncadd.s32 $0xFFFFC000  }
0x35: {  	s19 =	simm.s32 @!p0 $0x0;
	s20 =	simm.s32 @!p0 $0x3;
	[bflag:$0x0] =	sbarrier.arrive $0xFFFF  }
0x36: {  	[tilespmem:s19], [sflag:$0x3] =	stream.linear.gather @!p0 [hbm4b:s18+s19], $0x80, $0x38;
	[tilespmem:$0x1C100] =	vst v63  }
0x37: {  	_ =	swait.ge @!p0 [sflag:s20], $0x80;
	p0 =	por p0, p0  }
0x38: {  	[sflag:s20] =	ssyncset.done @!p0 $0x0  }
0x39: {  	s18 =	sadd.s32 @!p0 $0x0, s12;
	s21 =	simm.s32 @!p0 $0x80;
	[sflag:s20] =	ssyncadd.s32 @!p0 $0xFFFFFF80  }
0x3a: {  	[tilespmem:s21], [sflag:$0x3] =	stream.linear.gather @!p0 [hbm4b:s18+s19], $0x80, $0x38;
	[tilespmem:$0x1C100] =	vst v63  }
0x3b: {  	_ =	swait.ge @!p0 [sflag:s20], $0x80  }
0x3c: {  	[sflag:s20] =	ssyncset.done @!p0 $0x0  }
0x3d: {  	s18 =	simm.s32 @!p0 $0x100;
	[sflag:s20] =	ssyncadd.s32 @!p0 $0xFFFFFF80;
	s20 =	simm.s32 @!p0 $0x1  }
0x3e: {  	[tilespmem:s18], [sflag:$0x1] =	stream.indirect.gather @!p0 [hbm4b:s1+s21], $0x80, s19, s21, $0xb8;
	[tilespmem:$0x1C100] =	vst v63  }
0x3f: {  	_ =	swait.ge @!p0 [sflag:s20], $0x4000  }
0x40: {  	[sflag:s20] =	ssyncset.done @!p0 $0x0  }
0x41: {  	s19 =	sadd.s32 $0x20, s14;
	[sflag:s20] =	ssyncadd.s32 @!p0 $0xFFFFC000  }
0x42: {  	[spmem:s2] =	stream.indirect.scatter.add.f32 @!p0 [tilespmem:s18], [sflag:$0x2], $0x80, s21, s21, $0xb8;
	[tilespmem:$0x1C100] =	vst v63  }
0x43: {  	p2 =	sgt.u32 s19, $0x9C3;
	s21 =	simm.s32 @!p0 $0x2  }
0x44: {  	s20 =	simm.s32 $0x400;
	s18 =	simm.s32 $0x200;
	_ =	swait.ge @!p0 [sflag:s21], $0x4000  }
.LBB2_4:
0x45: {  	s22 =	sadd.s32 @!p2 s18, s13  }
0x46: {  	s23 =	simm.s32 @!p2 $0x0;
	[sflag:s21] =	ssyncset.done @!p0 $0x0;
	s24 =	smov.u32 s20  }
0x47: {  	s20 =	sadd.s32 $0x200, s20;
	s25 =	simm.s32 @!p2 $0x3;
	[sflag:s21] =	ssyncadd.s32 @!p0 $0xFFFFC000  }
0x48: {  	[tilespmem:s23], [sflag:$0x3] =	stream.linear.gather @!p2 [hbm4b:s22+s23], $0x80, $0x38;
	[tilespmem:$0x1C100] =	vst v63  }
0x49: {  	p1 =	sne.s32 s20, $0x9E00;
	p0 =	por p2, p2;
	_ =	swait.ge @!p2 [sflag:s25], $0x80  }
0x4a: {  	[sflag:s25] =	ssyncset.done @!p0 $0x0  }
0x4b: {  	s18 =	sadd.s32 @!p0 s18, s12;
	s22 =	simm.s32 @!p0 $0x80;
	[sflag:s25] =	ssyncadd.s32 @!p0 $0xFFFFFF80  }
0x4c: {  	[tilespmem:s22], [sflag:$0x3] =	stream.linear.gather @!p0 [hbm4b:s18+s23], $0x80, $0x38;
	[tilespmem:$0x1C100] =	vst v63  }
0x4d: {  	s18 =	smov.u32 s24;
	_ =	swait.ge @!p0 [sflag:s25], $0x80  }
0x4e: {  	[sflag:s25] =	ssyncset.done @!p0 $0x0  }
0x4f: {  	s21 =	simm.s32 @!p0 $0x1;
	s24 =	simm.s32 @!p0 $0x100;
	[sflag:s25] =	ssyncadd.s32 @!p0 $0xFFFFFF80  }
0x50: {  	[tilespmem:s24], [sflag:$0x1] =	stream.indirect.gather @!p0 [hbm4b:s1+s22], $0x80, s23, s22, $0xb8;
	[tilespmem:$0x1C100] =	vst v63  }
.Ltmp1:
0x51: {  	_ =	swait.ge @!p0 [sflag:s21], $0x4000;
	(pc) =	sbr.rel @p1 .LBB2_4-.Ltmp1, $4  }
0x52: {  	[sflag:s21] =	ssyncset.done @!p0 $0x0  }
0x53: {  	s19 =	sadd.s32 $0x20, s19;
	[sflag:s21] =	ssyncadd.s32 @!p0 $0xFFFFC000;
	s21 =	simm.s32 @!p0 $0x2  }
0x54: {  	[spmem:s2] =	stream.indirect.scatter.add.f32 @!p0 [tilespmem:s24], [sflag:$0x2], $0x80, s22, s22, $0xb8;
	[tilespmem:$0x1C100] =	vst v63  }
0x55: {  	p2 =	sgt.u32 s19, $0x9C3;
	_ =	swait.ge @!p0 [sflag:s21], $0x4000  }
0x56: {  	s19 =	sadd.s32 @!p2 s18, s13;
	[sflag:s21] =	ssyncset.done @!p0 $0x0  }
0x57: {  	s20 =	simm.s32 @!p2 $0x0;
	s22 =	simm.s32 @!p2 $0x3;
	[sflag:s21] =	ssyncadd.s32 @!p0 $0xFFFFC000  }
0x58: {  	[tilespmem:s20], [sflag:$0x3] =	stream.linear.gather @!p2 [hbm4b:s19+s20], $0x80, $0x38;
	[tilespmem:$0x1C100] =	vst v63  }
0x59: {  	p0 =	por p2, p2;
	_ =	swait.ge @!p2 [sflag:s22], $0x80  }
0x5a: {  	[sflag:s22] =	ssyncset.done @!p0 $0x0  }
0x5b: {  	s18 =	sadd.s32 @!p0 s18, s12;
	s19 =	simm.s32 @!p0 $0x80;
	[sflag:s22] =	ssyncadd.s32 @!p0 $0xFFFFFF80  }
0x5c: {  	[tilespmem:s19], [sflag:$0x3] =	stream.linear.gather @!p0 [hbm4b:s18+s20], $0x80, $0x38;
	[tilespmem:$0x1C100] =	vst v63  }
0x5d: {  	_ =	swait.ge @!p0 [sflag:s22], $0x80  }
0x5e: {  	[sflag:s22] =	ssyncset.done @!p0 $0x0  }
0x5f: {  	s21 =	simm.s32 @!p0 $0x1;
	s18 =	simm.s32 @!p0 $0x100;
	[sflag:s22] =	ssyncadd.s32 @!p0 $0xFFFFFF80  }
0x60: {  	[tilespmem:s18], [sflag:$0x1] =	stream.indirect.gather @!p0 [hbm4b:s1+s19], $0x80, s20, s19, $0xb8;
	[tilespmem:$0x1C100] =	vst v63  }
0x61: {  	_ =	swait.ge @!p0 [sflag:s21], $0x4000  }
0x62: {  	[sflag:s21] =	ssyncset.done @!p0 $0x0  }
0x63: {  	s20 =	simm.s32 @!p0 $0x2;
	[sflag:s21] =	ssyncadd.s32 @!p0 $0xFFFFC000  }
0x64: {  	[spmem:s2] =	stream.indirect.scatter.add.f32 @!p0 [tilespmem:s18], [sflag:$0x2], $0x80, s19, s19, $0xb8;
	[tilespmem:$0x1C100] =	vst v63  }
0x65: {  	_ =	swait.ge @!p0 [sflag:s20], $0x4000  }
0x66: {  	s4 =	sadd.s32 $0x1, s4;
	[sflag:s20] =	ssyncset.done @!p0 $0x0  }
0x67: {  	[sflag:s20] =	ssyncadd.s32 @!p0 $0xFFFFC000;
	p0 =	sne.s32 s4, s11  }
.Ltmp2:
0x68: {  	s31 =	sshrl.u32 s5, $0x3;
	[bflag:$0x0] =	sbarrier.arrive $0xFFFF;
	(pc) =	sbr.rel @p0 .LBB2_1-.Ltmp2, $4  }
0x69: {  	[hbm:s10], [sflag:s17] =	dma.local [spmem:s31], $0x2800  }
0x6a: {  	_ =	swait.ge [sflag:s16], $0x2800  }
0x6b: {  	[sflag:s16] =	ssyncset.done $0x0  }
0x6c: {  	[sflag:s16] =	ssyncadd.s32 $0xFFFFD800  }
0x6d: {  	_ =	sfence.sel $0x180000  }
0x6e: {  	[bflag:$0x0] =	sbarrier.arrive $0xFFFF  }
0x6f: {  	p0 =	sne.s32 s3, $0x0;
	_ =	strace $0x9000004D  }
0x70: {  	s0 =	sadd.s32 @!p0 $0x100000, s0;
	[bflag:$0x2] =	sbarrier.arrive $0xFFFF  }
0x71: {  	[sflag:s0] =	ssyncadd.tile.s32 @!p0 $0x1;
	_ =	shalt  }
.Lfunc_end2:
_tile_overlayer_lowered:
.L_overlay_start_2:
0x72: {  	(tag) =	ssettag $0x2  }
0x73: {  	s0 =	rddreg [dreg:$0x0];
	s2 =	stileid.u32  }
0x74: {  	s1 =	rddreg [dreg:$0x1];
	p0 =	sne.s32 s2, $0x0  }
0x75: {  	s3 =	rddreg [dreg:$0x2];
	[bflag:$0x3] =	sbarrier.arrive $0xFFFF;
	s2 =	simm.s32 @!p0 $0x1C02  }
0x76: {  	[timem:s3], [sflag:s2] =	dma.local @!p0 [hbm:s0], s1  }
0x77: {  	s0 =	simm.s32 @!p0 $0x2  }
0x78: {  	_ =	swait.ge @!p0 [sflag:s0], s1  }
0x79: {  	s1 =	ssub.s32 @!p0 $0x0, s1;
	[sflag:s0] =	ssyncset.done @!p0 $0x0  }
0x7a: {  	[sflag:s0] =	ssyncadd.s32 @!p0 s1  }
0x7b: {  	[bflag:$0x3] =	sbarrier.arrive $0xFFFF  }
0x7c: {  	_ =	shalt  }

// kernel: kernel.8.cloned.1.call-start
scs
__scs_entry_jumppad:
0x0: {  	(pc) =	sbr.rel $0x88, $3  }
0x1: {  	(tag) =	ssettag $0x0;
	lr =	simm.s32 $0x1  }
0x2: {  	[smem:$0x3F99] =	sst lr;
	_ =	strace $0xD0000000  }
0x3: {  	_ = 	snop  }
0x4: {  	_ = 	snop  }
0x5: {  	_ = 	snop  }
0x6: {  	_ = 	snop  }
0x7: {  	_ = 	snop  }
__scs_overlays_trampoline_lowered:
0x8: {  	[smem:$0x3FA8] =	sst s0  }
0x9: {  	[smem:$0x3FA9] =	sst s1  }
0xa: {  	[smem:$0x3FAA] =	sst s2  }
0xb: {  	[smem:$0x3FAB] =	sst s3  }
0xc: {  	[smem:$0x3FAC] =	sst s4  }
0xd: {  	[smem:$0x3FAD] =	sst s5  }
0xe: {  	[smem:$0x3FAE] =	sst s6  }
0xf: {  	[smem:$0x3FAF] =	sst s7  }
0x10: {  	[smem:$0x3FB0] =	sst s8  }
0x11: {  	[smem:$0x3FB1] =	sst s9;
	s0 =	simm.s32 @!p0 $0x0  }
0x12: {  	s1 =	sld [smem:$0x3F97];
	s0 =	simm.s32 @p0 $0x1  }
0x13: {  	[smem:$0x3FB2] =	sst s0;
	s0 =	simm.s32 @!p1 $0x0  }
0x14: {  	s2 =	sld [smem:$0x3F96];
	s0 =	simm.s32 @p1 $0x1  }
0x15: {  	[smem:$0x3FB3] =	sst s0;
	s0 =	simm.s32 @!p2 $0x0  }
0x16: {  	s3 =	sld [smem:$0x3FDB];
	s0 =	simm.s32 @p2 $0x1  }
0x17: {  	s4 =	simm.s32 $0x1BF5;
	[smem:$0x3FB5] =	sst s0  }
0x18: {  	s0 =	sld [smem:$0x3F98];
	_ =	swait.ge [sflag:s4], $0x0  }
0x19: {  	s7 =	sld [smem:$0x3F99]  }
0x1a: {  	s8 =	sadd.s32 $0xFFFFE003, lr  }
0x1b: {  	s9 =	sadd.s32 $0xFFFFFEF7, lr;
	s5 =	simm.s32 $0xFFFFFFFF;
	p2 =	slt.u32 s8, $0xFFFFF086  }
0x1c: {  	p1 =	slt.u32 s9, $0xF7A;
	s5 =	simm.s32 @!p2 $0x0  }
0x1d: {  	s5 =	simm.s32 @p1 $0x1;
	p0 =	seq.s32 s7, s2  }
0x1e: {  	s7 =	smul.u32 @!p0 $0xF7A, s2;
	p2 =	seq.s32 @!p0 s5, $0x0  }
0x1f: {  	s9 =	smul.u32 $0xF7A, s1;
	s8 =	simm.s32 @!p0 $0x1BF5;
	p2 =	por !p2, p0  }
0x20: {  	[sflag:s8] =	ssyncset.s32 @!p0 $0xFFFFF086;
	s6 =	sadd.s32 @!p0 s3, s7;
	s7 =	simm.s32 @!p0 $0x108  }
0x21: {  	s3 =	sadd.s32 s3, s9;
	s6 =	sadd.s32 @!p0 $0x88, s6;
	s7 =	simm.s32 @p2 $0x1082  }
0x22: {  	[simem:s7], [sflag:s8] =	dma.local @!p0 [hbm:s6], $0xF7A  }
0x23: {  	s9 =	sor.u32 $0xD0000000, s2;
	s6 =	simm.s32 $0x108;
	_ =	swait.ge @!p0 [sflag:s8], $0x0  }
0x24: {  	s3 =	sadd.s32 $0x88, s3;
	s6 =	simm.s32 @!p1 $0x1082;
	[sflag:s4] =	ssyncset.s32 $0xFFFFF086  }
0x25: {  	[simem:s6], [sflag:s4] =	dma.local [hbm:s3], $0xF7A  }
0x26: {  	[smem:$0x3F99] =	sst s1;
	(tag) =	ssettag s2;
	_ =	strace s9  }
0x27: {  	s1 =	sld [smem:$0x3FA9]  }
0x28: {  	s2 =	sld [smem:$0x3FAA]  }
0x29: {  	s4 =	sld [smem:$0x3FAC]  }
0x2a: {  	p0 =	seq.s32 s5, $0x0;
	s5 =	sld [smem:$0x3FAD]  }
0x2b: {  	s6 =	sld [smem:$0x3FAE]  }
0x2c: {  	s7 =	sld [smem:$0x3FAF]  }
0x2d: {  	s3 =	simm.s32 $0x108;
	s8 =	sld [smem:$0x3FB0]  }
0x2e: {  	s3 =	simm.s32 @!p0 $0x1082;
	s9 =	sld [smem:$0x3FB1]  }
0x2f: {  	lr =	sadd.s32 s0, s3;
	s0 =	sld [smem:$0x3FA8]  }
0x30: {  	s3 =	sld [smem:$0x3FAB]  }
0x31: {  	[smem:$0x3FB4] =	sst s10  }
0x32: {  	s10 =	sld [smem:$0x3FB2];
	_ =	sdelay $0x3  }
0x33: {  	p0 =	seq.s32 s10, $0x1;
	s10 =	sld [smem:$0x3FB4];
	_ =	sdelay $0x3  }
0x34: {  	[smem:$0x3FB4] =	sst s10  }
0x35: {  	s10 =	sld [smem:$0x3FB3];
	_ =	sdelay $0x3  }
0x36: {  	p1 =	seq.s32 s10, $0x1;
	s10 =	sld [smem:$0x3FB4];
	_ =	sdelay $0x3  }
0x37: {  	[smem:$0x3FB4] =	sst s10  }
0x38: {  	s10 =	sld [smem:$0x3FB5]  }
0x39: {  	_ = 	snop;
	(pc) =	sbr.ind lr, $3  }
0x3a: {  	_ = 	snop  }
0x3b: {  	_ = 	snop  }
0x3c: {  	p2 =	seq.s32 s10, $0x1;
	s10 =	sld [smem:$0x3FB4]  }
0x3d: {  	_ =	shalt  }
0x3e: {  	_ =	shalt  }
0x3f: {  	_ =	shalt  }
0x40: {  	_ =	shalt  }
0x41: {  	_ =	shalt  }
0x42: {  	_ =	shalt  }
0x43: {  	_ =	shalt  }
0x44: {  	_ =	shalt  }
0x45: {  	_ =	shalt  }
0x46: {  	_ =	shalt  }
0x47: {  	_ =	shalt  }
0x48: {  	_ =	shalt  }
0x49: {  	_ =	shalt  }
0x4a: {  	_ =	shalt  }
0x4b: {  	_ =	shalt  }
0x4c: {  	_ =	shalt  }
0x4d: {  	_ =	shalt  }
0x4e: {  	_ =	shalt  }
0x4f: {  	_ =	shalt  }
0x50: {  	_ =	shalt  }
0x51: {  	_ =	shalt  }
0x52: {  	_ =	shalt  }
0x53: {  	_ =	shalt  }
0x54: {  	_ =	shalt  }
0x55: {  	_ =	shalt  }
0x56: {  	_ =	shalt  }
0x57: {  	_ =	shalt  }
0x58: {  	_ =	shalt  }
0x59: {  	_ =	shalt  }
0x5a: {  	_ =	shalt  }
0x5b: {  	_ =	shalt  }
0x5c: {  	_ =	shalt  }
0x5d: {  	_ =	shalt  }
0x5e: {  	_ =	shalt  }
0x5f: {  	_ =	shalt  }
0x60: {  	_ =	shalt  }
0x61: {  	_ =	shalt  }
0x62: {  	_ =	shalt  }
0x63: {  	_ =	shalt  }
0x64: {  	_ =	shalt  }
0x65: {  	_ =	shalt  }
0x66: {  	_ =	shalt  }
0x67: {  	_ =	shalt  }
0x68: {  	_ =	shalt  }
0x69: {  	_ =	shalt  }
0x6a: {  	_ =	shalt  }
0x6b: {  	_ =	shalt  }
0x6c: {  	_ =	shalt  }
0x6d: {  	_ =	shalt  }
0x6e: {  	_ =	shalt  }
0x6f: {  	_ =	shalt  }
0x70: {  	_ =	shalt  }
0x71: {  	_ =	shalt  }
0x72: {  	_ =	shalt  }
0x73: {  	_ =	shalt  }
0x74: {  	_ =	shalt  }
0x75: {  	_ =	shalt  }
0x76: {  	_ =	shalt  }
0x77: {  	_ =	shalt  }
0x78: {  	_ =	shalt  }
0x79: {  	_ =	shalt  }
0x7a: {  	_ =	shalt  }
0x7b: {  	_ =	shalt  }
0x7c: {  	_ =	shalt  }
0x7d: {  	_ =	shalt  }
0x7e: {  	_ =	shalt  }
0x7f: {  	_ =	shalt  }
0x80: {  	_ =	shalt  }
0x81: {  	_ =	shalt  }
0x82: {  	_ =	shalt  }
0x83: {  	_ =	shalt  }
0x84: {  	_ =	shalt  }
0x85: {  	_ =	shalt  }
0x86: {  	_ =	shalt  }
0x87: {  	_ =	shalt  }
.Lfunc_end0:
.L_simem_size_0:
called_computation_lowered:
.L_overlay_start_0:
0x88: {  	s2 =	sld [smem:$0x3FD9]  }
0x89: {  	s3 =	sld [smem:$0x3FFE];
	_ =	sdelay $0x1  }
0x8a: {  	s1 =	srdreg.scid  }
0x8b: {  	s0 =	sand.u32 $0x1, s1  }
0x8c: {  	s17 =	sshll.u32 s0, $0xA;
	s2 =	sadd.s32 s3, s2  }
0x8d: {  	s2 =	sadd.s32 s2, s17  }
0x8e: {  	[smem:$0x3FC0] =	sst s2  }
0x8f: {  	_ = 	snop  }
0x90: {  	s2 =	sld [smem:$0x3FC9];
	(tm) =	ssettm $0x1  }
0x91: {  	s18 =	sld [smem:$0x3FFB];
	_ =	sdelay $0x3  }
0x92: {  	_ =	strace s18  }
0x93: {  	s3 =	sld [smem:$0x3FFC];
	_ =	sdelay $0x3  }
0x94: {  	_ =	strace s3  }
0x95: {  	s3 =	sld [smem:$0x3FFD];
	_ =	sdelay $0x3  }
0x96: {  	_ =	strace s3  }
0x97: {  	_ =	strace $0x8FFFFFFF  }
0x98: {  	s19 =	sld [smem:$0x3FDB];
	_ =	sdelay $0x1  }
0x99: {  	s4 =	simm.s32 $_scs_section_size  }
0x9a: {  	s5 =	simm.s32 $_size__tile_overlayer_lowered;
	s6 =	simm.s32 $_tile_overlayer_lowered  }
0x9b: {  	s22 =	simm.s32 $0x1BFF;
	s21 =	sshll.u32 s6, $0x1;
	s3 =	sadd.s32 s4, s19  }
0x9c: {  	s7 =	simm.s32 $0x0;
	s20 =	sshll.u32 s5, $0x1;
	s5 =	sadd.s32 s21, s3  }
0x9d: {  	[timem:s7], [sflag:s22] =	dma.local [hbm:s5], s20  }
0x9e: {  	_ =	swait.ge [sflag:s22], s20  }
0x9f: {  	s4 =	ssub.s32 $0x0, s20;
	[sflag:s22] =	ssyncset.done $0x0  }
0xa0: {  	[sflag:s22] =	ssyncadd.s32 s4;
	_ =	sdelay $0x1  }
0xa1: {  	s23 =	simm.s32 $0x1B8B  }
0xa2: {  	_ =	swait.ge [sflag:s23], $0x1  }
0xa3: {  	[sflag:s23] =	ssyncset.done $0x0  }
0xa4: {  	s25 =	simm.s32 $0x1B8E;
	s24 =	sld [smem:$0x3FFE];
	[sflag:s23] =	ssyncadd.s32 $0xFFFFFFFF  }
0xa5: {  	s26 =	simm.s32 $execute0_lowered;
	[smem:$0x3FD2] =	sst s25  }
0xa6: {  	s5 =	sshll.u32 s26, $0x1;
	_ =	strace $0x80000046;
	[dreg:$0x1] =	wrdreg $0xFFFFFFFF  }
0xa7: {  	s28 =	simm.s32 $_size_execute0_lowered;
	s3 =	sadd.s32 s3, s5;
	[dreg:$0x0] =	wrdreg $0x0  }
0xa8: {  	s5 =	sshll.u32 s28, $0x1;
	[dreg:$0x2] =	wrdreg s3  }
0xa9: {  	[dreg:$0x3] =	wrdreg s5  }
0xaa: {  	[dreg:$0x4] =	wrdreg $0xC0  }
0xab: {  	_ =	task [dreg:s7], $0x5FFFF  }
0xac: {  	[dreg:$0x1] =	wrdreg $0xFFFFFFFF  }
0xad: {  	[dreg:$0x0] =	wrdreg $0x60  }
0xae: {  	[dreg:$0x2] =	wrdreg s24  }
0xaf: {  	[dreg:$0x3] =	wrdreg s2  }
0xb0: {  	[dreg:$0x4] =	wrdreg $0x81000  }
0xb1: {  	[dreg:$0x5] =	wrdreg $0x9  }
0xb2: {  	_ =	task.clear_ibuf [dreg:s7], $0x6FFFF;
	_ =	strace $0x90000046  }
0xb3: {  	s29 =	simm.s32 $0x9;
	_ =	strace $0x80000048  }
0xb4: {  	_ =	swait.ge [sflag:s29], $0x1  }
0xb5: {  	[sflag:s29] =	ssyncadd.s32 $0xFFFFFFFF  }
0xb6: {  	_ =	strace $0x90000048  }
0xb7: {  	_ =	sfence  }
0xb8: {  	s30 =	sld [smem:$0x0];
	_ =	sdelay $0x2  }
0xb9: {  	s31 =	sshll.u32 s1, $0xD;
	s1 =	sshrl.u32 s1, $0x2  }
0xba: {  	s3 =	sand.u32 $0x4000, s31;
	s1 =	sadd.s32 s1, s30  }
0xbb: {  	s0 =	sor.u32 s3, s0;
	s1 =	sshll.u32 s1, $0x11  }
0xbc: {  	s0 =	sor.u32 s1, s0  }
0xbd: {  	s0 =	sadd.s32 $0x8F2B, s0  }
0xbe: {  	[sflag:s0] =	ssyncadd.remote.s32 $0x1  }
0xbf: {  	_ =	sfence.sel $0xFFFF  }
0xc0: {  	[dreg:$0x0] =	wrdreg $0xFFFFFFFF;
	(pc) =	sbr.abs _section_cstart, $3  }
0xc1: {  	[dreg:$0x1] =	wrdreg $0xFFFFFFFF  }
0xc2: {  	_ =	task.clear_ibuf [dreg:s7], $0x2FFFF;
	_ =	strace $0x9FFFFFFF  }
0xc3: {  	(tm) =	ssettm $0x7FFFFFFF  }
tec
execute0_lowered:
.L_overlay_start_1:
0x0: {  	(tag) =	ssettag $0x1  }
0x1: {  	s5 =	rddreg [dreg:$0x0]  }
0x2: {  	s1 =	rddreg [dreg:$0x1]  }
0x3: {  	s2 =	rddreg [dreg:$0x2]  }
0x4: {  	s3 =	srdreg.scid;
	s0 =	rddreg [dreg:$0x3];
	s4 =	simm.s32 $0x0  }
0x5: {  	s15 =	simm.s32 $0x4100;
	s6 =	sand.u32 $0x1, s3;
	s3 =	stileid.u32  }
0x6: {  	s16 =	simm.s32 $0x2;
	[smem:$0x7FF] =	sst s4;
	s7 =	smul.u32 $0x140000, s6  }
0x7: {  	s8 =	smul.u32 $0x14000, s3;
	_ =	strace $0x80000047;
	s9 =	sshll.u32 s6, $0x8  }
0x8: {  	s28 =	smul.u32 $0x50000, s3;
	s29 =	ssub.s32 $0x2, s6;
	s14 =	sshll.u32 s6, $0x4  }
0x9: {  	s13 =	sshll.u32 s3, $0x4;
	s17 =	sshll.u32 s3, $0x6;
	s10 =	sadd.s32 s9, s5  }
0xa: {  	s30 =	sshrl.u32 s29, $0x1;
	s14 =	sor.u32 s14, s3;
	s7 =	sadd.s32 s8, s7  }
0xb: {  	s17 =	sor.u32 $0x1C02, s17;
	s31 =	sshrl.u32 s28, $0x2;
	s7 =	sshrl.u32 s7, $0x3  }
0xc: {  	s12 =	ssub.s32 s29, s30;
	s11 =	sadd.s32 s7, s5;
	s5 =	sadd.s32 s31, s2  }
0xd: {  	s13 =	sadd.s32 s13, s10;
	s6 =	sadd.s32 $0x4000, s5;
	s7 =	sadd.s32 $0x8000, s5  }
0xe: {  	s8 =	sadd.s32 $0xC000, s5;
	s9 =	sadd.s32 $0x10000, s5;
	s10 =	sadd.s32 $0x15600, s11  }
0xf: {  	v0 =	vimm.f32 $0.0e+00;
	s11 =	smax.u32 s12, $0x1;
	s12 =	sadd.s32 $0x1A00, s13;
	s13 =	sadd.s32 $0xB800, s13  }
.LBB2_1:
0x10: {  	s18 =	simm.s32 $0x0;
	s19 =	simm.s32 $0x200  }
.LBB2_2:
0x11: {  	p0 =	sne.s32 s19, $0xFE00;
	[tilespmem:s18+$0x4170] =	vst v0  }
0x12: {  	[tilespmem:s18+$0x4100] =	vst v0  }
0x13: {  	[tilespmem:s18+$0x4110] =	vst v0  }
.Ltmp0:
0x14: {  	[tilespmem:s18+$0x4120] =	vst v0;
	(pc) =	sbr.rel @p0 .LBB2_2-.Ltmp0, $4  }
0x15: {  	[tilespmem:s18+$0x4130] =	vst v0  }
0x16: {  	[tilespmem:s18+$0x4140] =	vst v0  }
0x17: {  	[tilespmem:s18+$0x4150] =	vst v0  }
0x18: {  	[tilespmem:s18+$0x4160] =	vst v0;
	s18 =	sshra.s32 s19, $0x2;
	s19 =	sadd.s32 $0x200, s19  }
0x19: {  	[tilespmem:s18+$0x4170] =	vst v0  }
0x1a: {  	[tilespmem:s18+$0x4100] =	vst v0  }
0x1b: {  	[tilespmem:s18+$0x4110] =	vst v0  }
0x1c: {  	[tilespmem:s18+$0x4120] =	vst v0  }
0x1d: {  	[tilespmem:s18+$0x4130] =	vst v0  }
0x1e: {  	[tilespmem:s18+$0x4140] =	vst v0  }
0x1f: {  	[tilespmem:s18+$0x4150] =	vst v0  }
0x20: {  	[tilespmem:s18+$0x4160] =	vst v0  }
0x21: {  	[spmem:s5] =	stream.linear.scatter [tilespmem:s15], [sflag:$0x2], $0x4000, $0x38;
	[tilespmem:$0x1C100] =	vst v63  }
0x22: {  	_ =	swait.ge [sflag:s16], $0x4000  }
0x23: {  	[sflag:s16] =	ssyncset.done $0x0  }
0x24: {  	[sflag:s16] =	ssyncadd.s32 $0xFFFFC000  }
0x25: {  	[spmem:s6] =	stream.linear.scatter [tilespmem:s15], [sflag:$0x2], $0x4000, $0x38;
	[tilespmem:$0x1C100] =	vst v63  }
0x26: {  	_ =	swait.ge [sflag:s16], $0x4000  }
0x27: {  	[sflag:s16] =	ssyncset.done $0x0  }
0x28: {  	[sflag:s16] =	ssyncadd.s32 $0xFFFFC000  }
0x29: {  	[spmem:s7] =	stream.linear.scatter [tilespmem:s15], [sflag:$0x2], $0x4000, $0x38;
	[tilespmem:$0x1C100] =	vst v63  }
0x2a: {  	_ =	swait.ge [sflag:s16], $0x4000  }
0x2b: {  	[sflag:s16] =	ssyncset.done $0x0  }
0x2c: {  	[sflag:s16] =	ssyncadd.s32 $0xFFFFC000  }
0x2d: {  	[spmem:s8] =	stream.linear.scatter [tilespmem:s15], [sflag:$0x2], $0x4000, $0x38;
	[tilespmem:$0x1C100] =	vst v63  }
0x2e: {  	_ =	swait.ge [sflag:s16], $0x4000  }
0x2f: {  	[sflag:s16] =	ssyncset.done $0x0  }
0x30: {  	[sflag:s16] =	ssyncadd.s32 $0xFFFFC000  }
0x31: {  	[spmem:s9] =	stream.linear.scatter [tilespmem:s15], [sflag:$0x2], $0x4000, $0x38;
	[tilespmem:$0x1C100] =	vst v63  }
0x32: {  	_ =	swait.ge [sflag:s16], $0x4000  }
0x33: {  	p0 =	sgt.u32 s14, $0x9C3;
	[sflag:s16] =	ssyncset.done $0x0  }
0x34: {  	s18 =	sadd.s32 @!p0 $0x0, s13;
	[sflag:s16] =	ssyncadd.s32 $0xFFFFC000  }
0x35: {  	s19 =	simm.s32 @!p0 $0x0;
	s20 =	simm.s32 @!p0 $0x3;
	[bflag:$0x0] =	sbarrier.arrive $0xFFFF  }
0x36: {  	[tilespmem:s19], [sflag:$0x3] =	stream.linear.gather @!p0 [hbm4b:s18+s19], $0x80, $0x38;
	[tilespmem:$0x1C100] =	vst v63  }
0x37: {  	_ =	swait.ge @!p0 [sflag:s20], $0x80;
	p0 =	por p0, p0  }
0x38: {  	[sflag:s20] =	ssyncset.done @!p0 $0x0  }
0x39: {  	s18 =	sadd.s32 @!p0 $0x0, s12;
	s21 =	simm.s32 @!p0 $0x80;
	[sflag:s20] =	ssyncadd.s32 @!p0 $0xFFFFFF80  }
0x3a: {  	[tilespmem:s21], [sflag:$0x3] =	stream.linear.gather @!p0 [hbm4b:s18+s19], $0x80, $0x38;
	[tilespmem:$0x1C100] =	vst v63  }
0x3b: {  	_ =	swait.ge @!p0 [sflag:s20], $0x80  }
0x3c: {  	[sflag:s20] =	ssyncset.done @!p0 $0x0  }
0x3d: {  	s18 =	simm.s32 @!p0 $0x100;
	[sflag:s20] =	ssyncadd.s32 @!p0 $0xFFFFFF80;
	s20 =	simm.s32 @!p0 $0x1  }
0x3e: {  	[tilespmem:s18], [sflag:$0x1] =	stream.indirect.gather @!p0 [hbm4b:s1+s21], $0x80, s19, s21, $0xb8;
	[tilespmem:$0x1C100] =	vst v63  }
0x3f: {  	_ =	swait.ge @!p0 [sflag:s20], $0x4000  }
0x40: {  	[sflag:s20] =	ssyncset.done @!p0 $0x0  }
0x41: {  	s19 =	sadd.s32 $0x20, s14;
	[sflag:s20] =	ssyncadd.s32 @!p0 $0xFFFFC000  }
0x42: {  	[spmem:s2] =	stream.indirect.scatter.add.f32 @!p0 [tilespmem:s18], [sflag:$0x2], $0x80, s21, s21, $0xb8;
	[tilespmem:$0x1C100] =	vst v63  }
0x43: {  	p2 =	sgt.u32 s19, $0x9C3;
	s21 =	simm.s32 @!p0 $0x2  }
0x44: {  	s20 =	simm.s32 $0x400;
	s18 =	simm.s32 $0x200;
	_ =	swait.ge @!p0 [sflag:s21], $0x4000  }
.LBB2_4:
0x45: {  	s22 =	sadd.s32 @!p2 s18, s13  }
0x46: {  	s23 =	simm.s32 @!p2 $0x0;
	[sflag:s21] =	ssyncset.done @!p0 $0x0;
	s24 =	smov.u32 s20  }
0x47: {  	s20 =	sadd.s32 $0x200, s20;
	s25 =	simm.s32 @!p2 $0x3;
	[sflag:s21] =	ssyncadd.s32 @!p0 $0xFFFFC000  }
0x48: {  	[tilespmem:s23], [sflag:$0x3] =	stream.linear.gather @!p2 [hbm4b:s22+s23], $0x80, $0x38;
	[tilespmem:$0x1C100] =	vst v63  }
0x49: {  	p1 =	sne.s32 s20, $0x9E00;
	p0 =	por p2, p2;
	_ =	swait.ge @!p2 [sflag:s25], $0x80  }
0x4a: {  	[sflag:s25] =	ssyncset.done @!p0 $0x0  }
0x4b: {  	s18 =	sadd.s32 @!p0 s18, s12;
	s22 =	simm.s32 @!p0 $0x80;
	[sflag:s25] =	ssyncadd.s32 @!p0 $0xFFFFFF80  }
0x4c: {  	[tilespmem:s22], [sflag:$0x3] =	stream.linear.gather @!p0 [hbm4b:s18+s23], $0x80, $0x38;
	[tilespmem:$0x1C100] =	vst v63  }
0x4d: {  	s18 =	smov.u32 s24;
	_ =	swait.ge @!p0 [sflag:s25], $0x80  }
0x4e: {  	[sflag:s25] =	ssyncset.done @!p0 $0x0  }
0x4f: {  	s21 =	simm.s32 @!p0 $0x1;
	s24 =	simm.s32 @!p0 $0x100;
	[sflag:s25] =	ssyncadd.s32 @!p0 $0xFFFFFF80  }
0x50: {  	[tilespmem:s24], [sflag:$0x1] =	stream.indirect.gather @!p0 [hbm4b:s1+s22], $0x80, s23, s22, $0xb8;
	[tilespmem:$0x1C100] =	vst v63  }
.Ltmp1:
0x51: {  	_ =	swait.ge @!p0 [sflag:s21], $0x4000;
	(pc) =	sbr.rel @p1 .LBB2_4-.Ltmp1, $4  }
0x52: {  	[sflag:s21] =	ssyncset.done @!p0 $0x0  }
0x53: {  	s19 =	sadd.s32 $0x20, s19;
	[sflag:s21] =	ssyncadd.s32 @!p0 $0xFFFFC000;
	s21 =	simm.s32 @!p0 $0x2  }
0x54: {  	[spmem:s2] =	stream.indirect.scatter.add.f32 @!p0 [tilespmem:s24], [sflag:$0x2], $0x80, s22, s22, $0xb8;
	[tilespmem:$0x1C100] =	vst v63  }
0x55: {  	p2 =	sgt.u32 s19, $0x9C3;
	_ =	swait.ge @!p0 [sflag:s21], $0x4000  }
0x56: {  	s19 =	sadd.s32 @!p2 s18, s13;
	[sflag:s21] =	ssyncset.done @!p0 $0x0  }
0x57: {  	s20 =	simm.s32 @!p2 $0x0;
	s22 =	simm.s32 @!p2 $0x3;
	[sflag:s21] =	ssyncadd.s32 @!p0 $0xFFFFC000  }
0x58: {  	[tilespmem:s20], [sflag:$0x3] =	stream.linear.gather @!p2 [hbm4b:s19+s20], $0x80, $0x38;
	[tilespmem:$0x1C100] =	vst v63  }
0x59: {  	p0 =	por p2, p2;
	_ =	swait.ge @!p2 [sflag:s22], $0x80  }
0x5a: {  	[sflag:s22] =	ssyncset.done @!p0 $0x0  }
0x5b: {  	s18 =	sadd.s32 @!p0 s18, s12;
	s19 =	simm.s32 @!p0 $0x80;
	[sflag:s22] =	ssyncadd.s32 @!p0 $0xFFFFFF80  }
0x5c: {  	[tilespmem:s19], [sflag:$0x3] =	stream.linear.gather @!p0 [hbm4b:s18+s20], $0x80, $0x38;
	[tilespmem:$0x1C100] =	vst v63  }
0x5d: {  	_ =	swait.ge @!p0 [sflag:s22], $0x80  }
0x5e: {  	[sflag:s22] =	ssyncset.done @!p0 $0x0  }
0x5f: {  	s21 =	simm.s32 @!p0 $0x1;
	s18 =	simm.s32 @!p0 $0x100;
	[sflag:s22] =	ssyncadd.s32 @!p0 $0xFFFFFF80  }
0x60: {  	[tilespmem:s18], [sflag:$0x1] =	stream.indirect.gather @!p0 [hbm4b:s1+s19], $0x80, s20, s19, $0xb8;
	[tilespmem:$0x1C100] =	vst v63  }
0x61: {  	_ =	swait.ge @!p0 [sflag:s21], $0x4000  }
0x62: {  	[sflag:s21] =	ssyncset.done @!p0 $0x0  }
0x63: {  	s20 =	simm.s32 @!p0 $0x2;
	[sflag:s21] =	ssyncadd.s32 @!p0 $0xFFFFC000  }
0x64: {  	[spmem:s2] =	stream.indirect.scatter.add.f32 @!p0 [tilespmem:s18], [sflag:$0x2], $0x80, s19, s19, $0xb8;
	[tilespmem:$0x1C100] =	vst v63  }
0x65: {  	_ =	swait.ge @!p0 [sflag:s20], $0x4000  }
0x66: {  	s4 =	sadd.s32 $0x1, s4;
	[sflag:s20] =	ssyncset.done @!p0 $0x0  }
0x67: {  	[sflag:s20] =	ssyncadd.s32 @!p0 $0xFFFFC000;
	p0 =	sne.s32 s4, s11  }
.Ltmp2:
0x68: {  	s31 =	sshrl.u32 s5, $0x3;
	[bflag:$0x0] =	sbarrier.arrive $0xFFFF;
	(pc) =	sbr.rel @p0 .LBB2_1-.Ltmp2, $4  }
0x69: {  	[hbm:s10], [sflag:s17] =	dma.local [spmem:s31], $0x2800  }
0x6a: {  	_ =	swait.ge [sflag:s16], $0x2800  }
0x6b: {  	[sflag:s16] =	ssyncset.done $0x0  }
0x6c: {  	[sflag:s16] =	ssyncadd.s32 $0xFFFFD800  }
0x6d: {  	_ =	sfence.sel $0x180000  }
0x6e: {  	[bflag:$0x0] =	sbarrier.arrive $0xFFFF  }
0x6f: {  	p0 =	sne.s32 s3, $0x0;
	_ =	strace $0x90000047  }
0x70: {  	s0 =	sadd.s32 @!p0 $0x100000, s0;
	[bflag:$0x2] =	sbarrier.arrive $0xFFFF  }
0x71: {  	[sflag:s0] =	ssyncadd.tile.s32 @!p0 $0x1;
	_ =	shalt  }
.Lfunc_end2:
_tile_overlayer_lowered:
.L_overlay_start_2:
0x72: {  	(tag) =	ssettag $0x2  }
0x73: {  	s0 =	rddreg [dreg:$0x0];
	s2 =	stileid.u32  }
0x74: {  	s1 =	rddreg [dreg:$0x1];
	p0 =	sne.s32 s2, $0x0  }
0x75: {  	s3 =	rddreg [dreg:$0x2];
	[bflag:$0x3] =	sbarrier.arrive $0xFFFF;
	s2 =	simm.s32 @!p0 $0x1C02  }
0x76: {  	[timem:s3], [sflag:s2] =	dma.local @!p0 [hbm:s0], s1  }
0x77: {  	s0 =	simm.s32 @!p0 $0x2  }
0x78: {  	_ =	swait.ge @!p0 [sflag:s0], s1  }
0x79: {  	s1 =	ssub.s32 @!p0 $0x0, s1;
	[sflag:s0] =	ssyncset.done @!p0 $0x0  }
0x7a: {  	[sflag:s0] =	ssyncadd.s32 @!p0 s1  }
0x7b: {  	[bflag:$0x3] =	sbarrier.arrive $0xFFFF  }
0x7c: {  	_ =	shalt  }

</sc_bundles>
